<compile_context>
chip_gen: v7x
topology: tpu7x:2x2x1
jax: 0.10.2.dev20260603
libtpu: 0.0.44.dev20260713+nightly
codegen_flags: <defaults>
</compile_context>

<pallas_src>
import functools

import jax
import jax.numpy as jnp
from jax import lax
from jax.experimental import pallas as pl
from jax.experimental.pallas import tpu as pltpu
from jax.experimental.pallas import tpu_sc as plsc

_NCHARS = 256
_CE = 8
_WE = 16
_WLEN = 20
_OUT_D = _WE + _WLEN * _CE
_NTILES = 32
_K = 128

_DNUMS = lax.GatherDimensionNumbers(
    offset_dims=(), collapsed_slice_dims=(0,), start_index_map=(0,))


def _build_kernel(n_pairs: int):
    assert n_pairs % (_NTILES * 2 * _K) == 0
    p_per_tile = n_pairs // _NTILES
    n_blocks = p_per_tile // _K
    mesh = plsc.VectorSubcoreMesh(core_axis_name="c", subcore_axis_name="s")

    @functools.partial(
        pl.kernel,
        out_type=jax.ShapeDtypeStruct((n_pairs * _OUT_D,), jnp.float32),
        mesh=mesh,
        scratch_types=[
            pltpu.VMEM(((_NCHARS + 1) * _CE,), jnp.float32),
            pltpu.VMEM((_K * _WLEN,), jnp.int32),
            pltpu.VMEM((_K * _WLEN,), jnp.int32),
            pltpu.VMEM((_K,), jnp.int32),
            pltpu.VMEM((_K,), jnp.int32),
            pltpu.VMEM((_K, _WE), jnp.float32),
            pltpu.VMEM((_K, _WE), jnp.float32),
            pltpu.VMEM((_K * _OUT_D,), jnp.float32),
            pltpu.VMEM((_K * _OUT_D,), jnp.float32),
            pltpu.SemaphoreType.DMA,
            pltpu.SemaphoreType.DMA,
            pltpu.SemaphoreType.DMA,
            pltpu.SemaphoreType.DMA,
            pltpu.SemaphoreType.DMA,
            pltpu.SemaphoreType.DMA,
            pltpu.SemaphoreType.DMA,
        ],
        compiler_params=pltpu.CompilerParams(
            needs_layout_passes=False, use_tc_tiling_on_sc=False),
    )
    def _k(cid_hbm, wid_hbm, ctab_hbm, wtab_hbm, out_hbm,
           ctab_v, cid0_v, cid1_v, wid0_v, wid1_v, wrows0_v, wrows1_v,
           outb0_v, outb1_v, tsem, isem0, isem1, gsem0, gsem1, osem0, osem1):
        cid_b = (cid0_v, cid1_v)
        wid_b = (wid0_v, wid1_v)
        wrows_b = (wrows0_v, wrows1_v)
        outb_b = (outb0_v, outb1_v)
        isem_b = (isem0, isem1)
        gsem_b = (gsem0, gsem1)
        osem_b = (osem0, osem1)
        tid = lax.axis_index("s") * 2 + lax.axis_index("c")
        tbase = tid * p_per_tile

        iota = lax.iota(jnp.int32, 16)
        lo8 = iota & 7
        hi8 = iota >> 3
        zeros = jnp.zeros((16,), jnp.float32)

        pltpu.async_copy(ctab_hbm, ctab_v, tsem).wait()
        head = ctab_v[pl.ds(0, 16)]
        ctab_v[pl.ds(0, 16)] = jnp.where(iota < _CE, 0.0, head)

        def start_ids(b, h):
            pbase = tbase + b * _K
            pltpu.async_copy(
                cid_hbm.at[pl.ds(pbase * _WLEN, _K * _WLEN)], cid_b[h],
                isem_b[h])
            pltpu.async_copy(
                wid_hbm.at[pl.ds(pbase, _K)], wid_b[h], isem_b[h])

        def wait_ids(h):
            pltpu.make_async_copy(
                cid_hbm.at[pl.ds(0, _K * _WLEN)], cid_b[h], isem_b[h]).wait()
            pltpu.make_async_copy(
                wid_hbm.at[pl.ds(0, _K)], wid_b[h], isem_b[h]).wait()

        def start_gather(h):
            pltpu.async_copy(wtab_hbm.at[wid_b[h]], wrows_b[h], gsem_b[h])

        def wait_gather(h):
            pltpu.make_async_copy(wtab_hbm.at[wid_b[h]], wrows_b[h],
                                  gsem_b[h]).wait()

        def start_out(b, h):
            pbase = tbase + b * _K
            pltpu.async_copy(
                outb_b[h],
                out_hbm.at[pl.ds(pbase * _OUT_D, _K * _OUT_D)], osem_b[h])

        def wait_out(b, h):
            pbase = tbase + b * _K
            pltpu.make_async_copy(
                outb_b[h],
                out_hbm.at[pl.ds(pbase * _OUT_D, _K * _OUT_D)],
                osem_b[h]).wait()

        start_ids(0, 0)
        wait_ids(0)
        start_gather(0)
        start_ids(1, 1)

        def block2(b2, carry):
            for h in (0, 1):
                b = b2 * 2 + h
                wait_gather(h)
                @pl.when(b >= 2)
                def _():
                    wait_out(b - 2, h)

                cid_h = cid_b[h]
                wid_h = wid_b[h]
                wrows_h = wrows_b[h]
                outb_h = outb_b[h]

                @plsc.parallel_loop(0, _K, 1, unroll=2)
                def pairloop(p):
                    ob = p * _OUT_D
                    cb = p * _WLEN
                    outb_h[pl.ds(ob, 16)] = wrows_h[p]
                    v0 = cid_h[pl.ds(cb, 16)]
                    v1 = cid_h[pl.ds(cb + 4, 16)]
                    vals = []
                    for j in range(_WLEN // 2):
                        if j < 8:
                            src, base = v0, 2 * j
                        else:
                            src, base = v1, 12 + 2 * (j - 8)
                        pat = base + hi8
                        cidj = lax.gather(
                            src, pat[:, None], _DNUMS, (1,),
                            mode=lax.GatherScatterMode.PROMISE_IN_BOUNDS)
                        vals.append(
                            plsc.load_gather(ctab_v, [cidj * _CE + lo8]))
                    for j in range(_WLEN // 2):
                        outb_h[pl.ds(ob + _WE + 16 * j, 16)] = vals[j]

                @plsc.parallel_loop(0, _K // 16, 1)
                def zgrp(g):
                    obase = (g * 16 + iota) * _OUT_D
                    widv = wid_h[pl.ds(g * 16, 16)]
                    m = widv == 0
                    for col in range(_WE):
                        plsc.store_scatter(outb_h, [obase + col], zeros,
                                           mask=m)

                start_out(b, h)

                @pl.when(b + 1 < n_blocks)
                def _():
                    wait_ids(1 - h)
                    start_gather(1 - h)

                @pl.when(b + 2 < n_blocks)
                def _():
                    start_ids(b + 2, h)
            return carry

        lax.fori_loop(0, n_blocks // 2, block2, 0)

        wait_out(n_blocks - 2, 0)
        wait_out(n_blocks - 1, 1)

    return _k


@jax.jit
def kernel(char_ids, word_ids, char_table, word_table):
    b, s, w = char_ids.shape
    n_pairs = b * s
    k = _build_kernel(n_pairs)
    out = k(char_ids.reshape(-1), word_ids.reshape(-1),
            char_table.reshape(-1), word_table)
    return out.reshape(b, s, _OUT_D)

# --- scband reference (transcript-rebuilt; emitter-appended) ---
"""Pipeline reference for scband-model-3118146257199 (READ-ONLY COPY).

The authoritative reference and input builder live on the scoring server;
editing this copy changes nothing except your own understanding.
"""

import jax, jax.numpy as jnp
import numpy as np

NCHARS = 256
NWORDS = 100000
CHAR_EMB = 8
WORD_EMB = 16
MAX_WORD_LEN = 20
MAX_SENT_LEN = 50
B = 4096


def setup_inputs(seed: int = 0) -> dict:
    key = jax.random.key(seed)
    k1, k2, k3, k4 = jax.random.split(key, 4)
    char_ids = jax.random.randint(k1, (B, MAX_SENT_LEN, MAX_WORD_LEN), 0, NCHARS + 1, dtype=jnp.int32)
    word_ids = jax.random.randint(k2, (B, MAX_SENT_LEN), 0, NWORDS + 1, dtype=jnp.int32)
    char_table = jax.random.normal(k3, (NCHARS + 1, CHAR_EMB), dtype=jnp.float32)
    word_table = jax.random.normal(k4, (NWORDS + 1, WORD_EMB), dtype=jnp.float32)
    return {"char_ids": char_ids, "word_ids": word_ids, "char_table": char_table, "word_table": word_table}


def reference(char_ids, word_ids, char_table, word_table):
    # padding_idx=0 semantics: row 0 of each table is a fixed zero vector
    ct = char_table.at[0].set(0.0)
    wt = word_table.at[0].set(0.0)
    # embedding lookups (SparseCore gather)
    char_emb = jnp.take(ct, char_ids, axis=0)   # [B, S, W, CHAR_EMB]
    word_emb = jnp.take(wt, word_ids, axis=0)   # [B, S, WORD_EMB]
    b, s, w, ce = char_emb.shape
    char_flat = char_emb.reshape(b, s, w * ce)  # [B, S, W*CHAR_EMB]
    # per-word representation: word embedding concatenated with flattened char embeddings
    out = jnp.concatenate([word_emb, char_flat], axis=-1)  # [B, S, WORD_EMB + W*CHAR_EMB]
    return out

if __name__ == "__main__":
    import jax
    _d = setup_inputs()
    print(jax.jit(kernel)(*tuple(_d.values())))

</pallas_src>

<mosaic_0001>
#map = affine_map<(d0, d1) -> (0)>
#map1 = affine_map<(d0, d1) -> (0, 0)>
module attributes {stable_mosaic.version = 14 : i64} {
  func.func @_k(%arg0: i32, %arg1: i32, %arg2: memref<4096000xi32, #tpu.memory_space<hbm>>, %arg3: memref<204800xi32, #tpu.memory_space<hbm>>, %arg4: memref<2056xf32, #tpu.memory_space<hbm>>, %arg5: memref<100001x16xf32, #tpu.memory_space<hbm>>, %arg6: memref<36044800xf32, #tpu.memory_space<hbm>>, %arg7: memref<2056xf32, #tpu.memory_space<vmem>>, %arg8: memref<2560xi32, #tpu.memory_space<vmem>>, %arg9: memref<2560xi32, #tpu.memory_space<vmem>>, %arg10: memref<128xi32, #tpu.memory_space<vmem>>, %arg11: memref<128xi32, #tpu.memory_space<vmem>>, %arg12: memref<128x16xf32, #tpu.memory_space<vmem>>, %arg13: memref<128x16xf32, #tpu.memory_space<vmem>>, %arg14: memref<22528xf32, #tpu.memory_space<vmem>>, %arg15: memref<22528xf32, #tpu.memory_space<vmem>>, %arg16: memref<!tpu.dma_semaphore, #tpu.memory_space<semaphore_mem>>, %arg17: memref<!tpu.dma_semaphore, #tpu.memory_space<semaphore_mem>>, %arg18: memref<!tpu.dma_semaphore, #tpu.memory_space<semaphore_mem>>, %arg19: memref<!tpu.dma_semaphore, #tpu.memory_space<semaphore_mem>>, %arg20: memref<!tpu.dma_semaphore, #tpu.memory_space<semaphore_mem>>, %arg21: memref<!tpu.dma_semaphore, #tpu.memory_space<semaphore_mem>>, %arg22: memref<!tpu.dma_semaphore, #tpu.memory_space<semaphore_mem>>) attributes {dimension_semantics = [#tpu.dimension_semantics<core_parallel>, #tpu.dimension_semantics<subcore_parallel>], iteration_bounds = array<i64: 2, 16>, scalar_prefetch = 0 : i64, scratch_operands = 16 : i64, tpu.core_type = #tpu.core_type<sc_vector_subcore>, window_params = [{transform_indices = #map}, {transform_indices = #map}, {transform_indices = #map}, {transform_indices = #map1}, {transform_indices = #map}]} {
    %mul3A = arith.constant 2 : i32
    %mul3A_0 = arith.muli %arg1, %mul3A : i32
    %add3A = arith.addi %mul3A_0, %arg0 : i32
    %mul3A_1 = arith.constant 6400 : i32
    %mul3A_2 = arith.muli %add3A, %mul3A_1 : i32
    %iota3A = tpu.iota {dimensions = array<i32: 0>} : vector<16xi32>
    %and3A = arith.constant 7 : i32
    %and3A_3 = vector.broadcast %and3A : i32 to vector<16xi32>
    %and3A_4 = arith.andi %iota3A, %and3A_3 : vector<16xi32>
    %shift_right_arithmetic3A = arith.constant 3 : i32
    %shift_right_arithmetic3A_5 = vector.broadcast %shift_right_arithmetic3A : i32 to vector<16xi32>
    %shift_right_arithmetic3A_6 = arith.shrsi %iota3A, %shift_right_arithmetic3A_5 : vector<16xi32>
    %broadcast_in_dim3A = arith.constant 0.000000e+00 : f32
    %broadcast_in_dim3A_7 = vector.broadcast %broadcast_in_dim3A : f32 to vector<16xf32>
    tpu.enqueue_dma source(%arg4 : memref<2056xf32, #tpu.memory_space<hbm>>) target(%arg7 : memref<2056xf32, #tpu.memory_space<vmem>>) target_semaphore(%arg16 : memref<!tpu.dma_semaphore, #tpu.memory_space<semaphore_mem>>)
    tpu.wait_dma2 semaphore(%arg16 : memref<!tpu.dma_semaphore, #tpu.memory_space<semaphore_mem>>) src(%arg4 : memref<2056xf32, #tpu.memory_space<hbm>>) dst(%arg7 : memref<2056xf32, #tpu.memory_space<vmem>>)
    %get3A = arith.constant 0 : index
    %get3A_8 = tpu.vector_load %arg7[%get3A] {strides = array<i32>} : memref<2056xf32, #tpu.memory_space<vmem>>, vector<16xf32>,
    %lt3A = arith.constant 8 : i32
    %lt3A_9 = vector.broadcast %lt3A : i32 to vector<16xi32>
    %lt3A_10 = arith.cmpi slt, %iota3A, %lt3A_9 : vector<16xi32>
    %jit3A = arith.constant 0.000000e+00 : f32
    %broadcast_in_dim3A_11 = vector.broadcast %jit3A : f32 to vector<16xf32>
    %select_n3A = arith.select %lt3A_10, %broadcast_in_dim3A_11, %get3A_8 : vector<16xi1>, vector<16xf32>
    %swap3A = arith.constant 0 : index
    %swap3A_12 = tpu.vector_load %arg7[%swap3A] {strides = array<i32>} : memref<2056xf32, #tpu.memory_space<vmem>>, vector<16xf32>,
    tpu.vector_store %arg7[%swap3A], %select_n3A {strides = array<i32>} : memref<2056xf32, #tpu.memory_space<vmem>>, vector<16xf32>,
    %add3A_13 = arith.constant 0 : i32
    %add3A_14 = arith.addi %mul3A_2, %add3A_13 : i32
    %mul3A_15 = arith.constant 20 : i32
    %mul3A_16 = arith.muli %add3A_14, %mul3A_15 : i32
    %dma_start3A = tpu.memref_slice %arg2[%mul3A_16] : memref<4096000xi32, #tpu.memory_space<hbm>> -> memref<2560xi32, #tpu.memory_space<hbm>>
    %dma_start3A_17 = tpu.memref_slice %arg2[%mul3A_16] : memref<4096000xi32, #tpu.memory_space<hbm>> -> memref<2560xi32, #tpu.memory_space<hbm>>
    tpu.enqueue_dma source(%dma_start3A_17 : memref<2560xi32, #tpu.memory_space<hbm>>) target(%arg8 : memref<2560xi32, #tpu.memory_space<vmem>>) target_semaphore(%arg17 : memref<!tpu.dma_semaphore, #tpu.memory_space<semaphore_mem>>)
    %dma_start3A_18 = tpu.memref_slice %arg3[%add3A_14] : memref<204800xi32, #tpu.memory_space<hbm>> -> memref<128xi32, #tpu.memory_space<hbm>>
    %dma_start3A_19 = tpu.memref_slice %arg3[%add3A_14] : memref<204800xi32, #tpu.memory_space<hbm>> -> memref<128xi32, #tpu.memory_space<hbm>>
    tpu.enqueue_dma source(%dma_start3A_19 : memref<128xi32, #tpu.memory_space<hbm>>) target(%arg10 : memref<128xi32, #tpu.memory_space<vmem>>) target_semaphore(%arg17 : memref<!tpu.dma_semaphore, #tpu.memory_space<semaphore_mem>>)
    %dma_wait3A = arith.constant 0 : i32
    %dma_wait3A_20 = tpu.memref_slice %arg2[%dma_wait3A] : memref<4096000xi32, #tpu.memory_space<hbm>> -> memref<2560xi32, #tpu.memory_space<hbm>>
    %dma_wait3A_21 = arith.constant 0 : i32
    %dma_wait3A_22 = tpu.memref_slice %arg2[%dma_wait3A_21] : memref<4096000xi32, #tpu.memory_space<hbm>> -> memref<2560xi32, #tpu.memory_space<hbm>>
    tpu.wait_dma2 semaphore(%arg17 : memref<!tpu.dma_semaphore, #tpu.memory_space<semaphore_mem>>) src(%dma_wait3A_22 : memref<2560xi32, #tpu.memory_space<hbm>>) dst(%arg8 : memref<2560xi32, #tpu.memory_space<vmem>>)
    %dma_wait3A_23 = arith.constant 0 : i32
    %dma_wait3A_24 = tpu.memref_slice %arg3[%dma_wait3A_23] : memref<204800xi32, #tpu.memory_space<hbm>> -> memref<128xi32, #tpu.memory_space<hbm>>
    %dma_wait3A_25 = arith.constant 0 : i32
    %dma_wait3A_26 = tpu.memref_slice %arg3[%dma_wait3A_25] : memref<204800xi32, #tpu.memory_space<hbm>> -> memref<128xi32, #tpu.memory_space<hbm>>
    tpu.wait_dma2 semaphore(%arg17 : memref<!tpu.dma_semaphore, #tpu.memory_space<semaphore_mem>>) src(%dma_wait3A_26 : memref<128xi32, #tpu.memory_space<hbm>>) dst(%arg10 : memref<128xi32, #tpu.memory_space<vmem>>)
    %dma_start3A_27 = arith.constant 0 : i32
    %dma_start3A_28 = arith.constant 0 : i32
    %dma_start3A_29 = tpu.memref_slice %arg5[%dma_start3A_27, %dma_start3A_28] : memref<100001x16xf32, #tpu.memory_space<hbm>> -> memref<100001x16xf32, #tpu.memory_space<hbm>>
    tpu.enqueue_indirect_dma source(%dma_start3A_29 : memref<100001x16xf32, #tpu.memory_space<hbm>>) target(%arg12 : memref<128x16xf32, #tpu.memory_space<vmem>>) offsets(%arg10 : memref<128xi32, #tpu.memory_space<vmem>>) semaphore(%arg19 : memref<!tpu.dma_semaphore, #tpu.memory_space<semaphore_mem>>)
    %add3A_30 = arith.constant 128 : i32
    %add3A_31 = arith.addi %mul3A_2, %add3A_30 : i32
    %mul3A_32 = arith.constant 20 : i32
    %mul3A_33 = arith.muli %add3A_31, %mul3A_32 : i32
    %dma_start3A_34 = tpu.memref_slice %arg2[%mul3A_33] : memref<4096000xi32, #tpu.memory_space<hbm>> -> memref<2560xi32, #tpu.memory_space<hbm>>
    %dma_start3A_35 = tpu.memref_slice %arg2[%mul3A_33] : memref<4096000xi32, #tpu.memory_space<hbm>> -> memref<2560xi32, #tpu.memory_space<hbm>>
    tpu.enqueue_dma source(%dma_start3A_35 : memref<2560xi32, #tpu.memory_space<hbm>>) target(%arg9 : memref<2560xi32, #tpu.memory_space<vmem>>) target_semaphore(%arg18 : memref<!tpu.dma_semaphore, #tpu.memory_space<semaphore_mem>>)
    %dma_start3A_36 = tpu.memref_slice %arg3[%add3A_31] : memref<204800xi32, #tpu.memory_space<hbm>> -> memref<128xi32, #tpu.memory_space<hbm>>
    %dma_start3A_37 = tpu.memref_slice %arg3[%add3A_31] : memref<204800xi32, #tpu.memory_space<hbm>> -> memref<128xi32, #tpu.memory_space<hbm>>
    tpu.enqueue_dma source(%dma_start3A_37 : memref<128xi32, #tpu.memory_space<hbm>>) target(%arg11 : memref<128xi32, #tpu.memory_space<vmem>>) target_semaphore(%arg18 : memref<!tpu.dma_semaphore, #tpu.memory_space<semaphore_mem>>)
    %scan3A = arith.constant 0 : i32
    %scan3A_38 = arith.constant 0 : i32
    %scan3A_39 = arith.constant 25 : i32
    %scan3A_40 = arith.addi %scan3A_38, %scan3A_39 : i32
    %scan3A_41 = arith.constant 1 : i32
    scf.for %scan3A_55 = %scan3A_38 to %scan3A_40 step %scan3A_41  : i32 {
      %mul3A_56 = arith.constant 2 : i32
      %mul3A_57 = arith.muli %scan3A_55, %mul3A_56 : i32
      %add3A_58 = arith.constant 0 : i32
      %add3A_59 = arith.addi %mul3A_57, %add3A_58 : i32
      %dma_wait3A_60 = arith.constant 0 : i32
      %dma_wait3A_61 = arith.constant 0 : i32
      %dma_wait3A_62 = tpu.memref_slice %arg5[%dma_wait3A_60, %dma_wait3A_61] : memref<100001x16xf32, #tpu.memory_space<hbm>> -> memref<100001x16xf32, #tpu.memory_space<hbm>>
      tpu.wait_indirect_dma semaphore(%arg19 : memref<!tpu.dma_semaphore, #tpu.memory_space<semaphore_mem>>) src(%dma_wait3A_62 : memref<100001x16xf32, #tpu.memory_space<hbm>>) dst(%arg12 : memref<128x16xf32, #tpu.memory_space<vmem>>)
      %ge3A = arith.constant 2 : i32
      %ge3A_63 = arith.cmpi sge, %add3A_59, %ge3A : i32
      %convert_element_type3A = arith.extui %ge3A_63 : i1 to i32
      %cond3A = arith.constant 0 : i32
      %cond3A_64 = arith.cmpi ne, %convert_element_type3A, %cond3A : i32
      scf.if %cond3A_64 {
        %sub3A = arith.constant 2 : i32
        %sub3A_130 = arith.subi %add3A_59, %sub3A : i32
        %mul3A_131 = arith.constant 128 : i32
        %mul3A_132 = arith.muli %sub3A_130, %mul3A_131 : i32
        %add3A_133 = arith.addi %mul3A_2, %mul3A_132 : i32
        %mul3A_134 = arith.constant 176 : i32
        %mul3A_135 = arith.muli %add3A_133, %mul3A_134 : i32
        %dma_wait3A_136 = tpu.memref_slice %arg6[%mul3A_135] : memref<36044800xf32, #tpu.memory_space<hbm>> -> memref<22528xf32, #tpu.memory_space<hbm>>
        %dma_wait3A_137 = tpu.memref_slice %arg6[%mul3A_135] : memref<36044800xf32, #tpu.memory_space<hbm>> -> memref<22528xf32, #tpu.memory_space<hbm>>
        tpu.wait_dma2 semaphore(%arg21 : memref<!tpu.dma_semaphore, #tpu.memory_space<semaphore_mem>>) src(%arg14 : memref<22528xf32, #tpu.memory_space<vmem>>) dst(%dma_wait3A_137 : memref<22528xf32, #tpu.memory_space<hbm>>)
      } else {
      }
      %parallel_loop3A = arith.constant 0 : i32
      %parallel_loop3A_65 = arith.constant 128 : i32
      %parallel_loop3A_66 = arith.constant 1 : i32
      scf.for %parallel_loop3A_130 = %parallel_loop3A to %parallel_loop3A_65 step %parallel_loop3A_66  : i32 {
        %parallel_loop3A_131 = arith.constant 176 : i32
        %parallel_loop3A_132 = arith.muli %parallel_loop3A_130, %parallel_loop3A_131 : i32
        %parallel_loop3A_133 = arith.constant 20 : i32
        %parallel_loop3A_134 = arith.muli %parallel_loop3A_130, %parallel_loop3A_133 : i32
        %parallel_loop3A_135 = arith.index_cast %parallel_loop3A_130 : i32 to index
        %parallel_loop3A_136 = arith.constant 0 : index
        %parallel_loop3A_137 = tpu.vector_load %arg12[%parallel_loop3A_135, %parallel_loop3A_136] {strides = array<i32>} : memref<128x16xf32, #tpu.memory_space<vmem>>, vector<16xf32>,
        %parallel_loop3A_138 = arith.index_cast %parallel_loop3A_132 : i32 to index
        %parallel_loop3A_139 = tpu.vector_load %arg14[%parallel_loop3A_138] {strides = array<i32>} : memref<22528xf32, #tpu.memory_space<vmem>>, vector<16xf32>,
        tpu.vector_store %arg14[%parallel_loop3A_138], %parallel_loop3A_137 {strides = array<i32>} : memref<22528xf32, #tpu.memory_space<vmem>>, vector<16xf32>,
        %parallel_loop3A_140 = arith.index_cast %parallel_loop3A_134 : i32 to index
        %parallel_loop3A_141 = tpu.vector_load %arg8[%parallel_loop3A_140] {strides = array<i32>} : memref<2560xi32, #tpu.memory_space<vmem>>, vector<16xi32>,
        %parallel_loop3A_142 = arith.constant 4 : i32
        %parallel_loop3A_143 = arith.addi %parallel_loop3A_134, %parallel_loop3A_142 : i32
        %parallel_loop3A_144 = arith.index_cast %parallel_loop3A_143 : i32 to index
        %parallel_loop3A_145 = tpu.vector_load %arg8[%parallel_loop3A_144] {strides = array<i32>} : memref<2560xi32, #tpu.memory_space<vmem>>, vector<16xi32>,
        %parallel_loop3A_146 = arith.constant 0 : i32
        %parallel_loop3A_147 = vector.broadcast %parallel_loop3A_146 : i32 to vector<16xi32>
        %parallel_loop3A_148 = arith.addi %parallel_loop3A_147, %shift_right_arithmetic3A_6 : vector<16xi32>
        %parallel_loop3A_149 = vector.shape_cast %parallel_loop3A_148 : vector<16xi32> to vector<16x1xi32>
        %parallel_loop3A_150 = vector.shape_cast %parallel_loop3A_149 : vector<16x1xi32> to vector<16xi32>
        %parallel_loop3A_151 = tpu.dynamic_gather %parallel_loop3A_141[%parallel_loop3A_150] in [0] : vector<16xi32>, vector<16xi32> -> vector<16xi32>
        %parallel_loop3A_152 = arith.constant 8 : i32
        %parallel_loop3A_153 = vector.broadcast %parallel_loop3A_152 : i32 to vector<16xi32>
        %parallel_loop3A_154 = arith.muli %parallel_loop3A_151, %parallel_loop3A_153 : vector<16xi32>
        %parallel_loop3A_155 = arith.addi %parallel_loop3A_154, %and3A_4 : vector<16xi32>
        %parallel_loop3A_156 = tpu.vector_load_idx %arg7[%parallel_loop3A_155] : memref<2056xf32, #tpu.memory_space<vmem>>[vector<16xi32>], vector<16xf32>,
        %parallel_loop3A_157 = arith.constant 2 : i32
        %parallel_loop3A_158 = vector.broadcast %parallel_loop3A_157 : i32 to vector<16xi32>
        %parallel_loop3A_159 = arith.addi %parallel_loop3A_158, %shift_right_arithmetic3A_6 : vector<16xi32>
        %parallel_loop3A_160 = vector.shape_cast %parallel_loop3A_159 : vector<16xi32> to vector<16x1xi32>
        %parallel_loop3A_161 = vector.shape_cast %parallel_loop3A_160 : vector<16x1xi32> to vector<16xi32>
        %parallel_loop3A_162 = tpu.dynamic_gather %parallel_loop3A_141[%parallel_loop3A_161] in [0] : vector<16xi32>, vector<16xi32> -> vector<16xi32>
        %parallel_loop3A_163 = arith.constant 8 : i32
        %parallel_loop3A_164 = vector.broadcast %parallel_loop3A_163 : i32 to vector<16xi32>
        %parallel_loop3A_165 = arith.muli %parallel_loop3A_162, %parallel_loop3A_164 : vector<16xi32>
        %parallel_loop3A_166 = arith.addi %parallel_loop3A_165, %and3A_4 : vector<16xi32>
        %parallel_loop3A_167 = tpu.vector_load_idx %arg7[%parallel_loop3A_166] : memref<2056xf32, #tpu.memory_space<vmem>>[vector<16xi32>], vector<16xf32>,
        %parallel_loop3A_168 = arith.constant 4 : i32
        %parallel_loop3A_169 = vector.broadcast %parallel_loop3A_168 : i32 to vector<16xi32>
        %parallel_loop3A_170 = arith.addi %parallel_loop3A_169, %shift_right_arithmetic3A_6 : vector<16xi32>
        %parallel_loop3A_171 = vector.shape_cast %parallel_loop3A_170 : vector<16xi32> to vector<16x1xi32>
        %parallel_loop3A_172 = vector.shape_cast %parallel_loop3A_171 : vector<16x1xi32> to vector<16xi32>
        %parallel_loop3A_173 = tpu.dynamic_gather %parallel_loop3A_141[%parallel_loop3A_172] in [0] : vector<16xi32>, vector<16xi32> -> vector<16xi32>
        %parallel_loop3A_174 = arith.constant 8 : i32
        %parallel_loop3A_175 = vector.broadcast %parallel_loop3A_174 : i32 to vector<16xi32>
        %parallel_loop3A_176 = arith.muli %parallel_loop3A_173, %parallel_loop3A_175 : vector<16xi32>
        %parallel_loop3A_177 = arith.addi %parallel_loop3A_176, %and3A_4 : vector<16xi32>
        %parallel_loop3A_178 = tpu.vector_load_idx %arg7[%parallel_loop3A_177] : memref<2056xf32, #tpu.memory_space<vmem>>[vector<16xi32>], vector<16xf32>,
        %parallel_loop3A_179 = arith.constant 6 : i32
        %parallel_loop3A_180 = vector.broadcast %parallel_loop3A_179 : i32 to vector<16xi32>
        %parallel_loop3A_181 = arith.addi %parallel_loop3A_180, %shift_right_arithmetic3A_6 : vector<16xi32>
        %parallel_loop3A_182 = vector.shape_cast %parallel_loop3A_181 : vector<16xi32> to vector<16x1xi32>
        %parallel_loop3A_183 = vector.shape_cast %parallel_loop3A_182 : vector<16x1xi32> to vector<16xi32>
        %parallel_loop3A_184 = tpu.dynamic_gather %parallel_loop3A_141[%parallel_loop3A_183] in [0] : vector<16xi32>, vector<16xi32> -> vector<16xi32>
        %parallel_loop3A_185 = arith.constant 8 : i32
        %parallel_loop3A_186 = vector.broadcast %parallel_loop3A_185 : i32 to vector<16xi32>
        %parallel_loop3A_187 = arith.muli %parallel_loop3A_184, %parallel_loop3A_186 : vector<16xi32>
        %parallel_loop3A_188 = arith.addi %parallel_loop3A_187, %and3A_4 : vector<16xi32>
        %parallel_loop3A_189 = tpu.vector_load_idx %arg7[%parallel_loop3A_188] : memref<2056xf32, #tpu.memory_space<vmem>>[vector<16xi32>], vector<16xf32>,
        %parallel_loop3A_190 = arith.constant 8 : i32
        %parallel_loop3A_191 = vector.broadcast %parallel_loop3A_190 : i32 to vector<16xi32>
        %parallel_loop3A_192 = arith.addi %parallel_loop3A_191, %shift_right_arithmetic3A_6 : vector<16xi32>
        %parallel_loop3A_193 = vector.shape_cast %parallel_loop3A_192 : vector<16xi32> to vector<16x1xi32>
        %parallel_loop3A_194 = vector.shape_cast %parallel_loop3A_193 : vector<16x1xi32> to vector<16xi32>
        %parallel_loop3A_195 = tpu.dynamic_gather %parallel_loop3A_141[%parallel_loop3A_194] in [0] : vector<16xi32>, vector<16xi32> -> vector<16xi32>
        %parallel_loop3A_196 = arith.constant 8 : i32
        %parallel_loop3A_197 = vector.broadcast %parallel_loop3A_196 : i32 to vector<16xi32>
        %parallel_loop3A_198 = arith.muli %parallel_loop3A_195, %parallel_loop3A_197 : vector<16xi32>
        %parallel_loop3A_199 = arith.addi %parallel_loop3A_198, %and3A_4 : vector<16xi32>
        %parallel_loop3A_200 = tpu.vector_load_idx %arg7[%parallel_loop3A_199] : memref<2056xf32, #tpu.memory_space<vmem>>[vector<16xi32>], vector<16xf32>,
        %parallel_loop3A_201 = arith.constant 10 : i32
        %parallel_loop3A_202 = vector.broadcast %parallel_loop3A_201 : i32 to vector<16xi32>
        %parallel_loop3A_203 = arith.addi %parallel_loop3A_202, %shift_right_arithmetic3A_6 : vector<16xi32>
        %parallel_loop3A_204 = vector.shape_cast %parallel_loop3A_203 : vector<16xi32> to vector<16x1xi32>
        %parallel_loop3A_205 = vector.shape_cast %parallel_loop3A_204 : vector<16x1xi32> to vector<16xi32>
        %parallel_loop3A_206 = tpu.dynamic_gather %parallel_loop3A_141[%parallel_loop3A_205] in [0] : vector<16xi32>, vector<16xi32> -> vector<16xi32>
        %parallel_loop3A_207 = arith.constant 8 : i32
        %parallel_loop3A_208 = vector.broadcast %parallel_loop3A_207 : i32 to vector<16xi32>
        %parallel_loop3A_209 = arith.muli %parallel_loop3A_206, %parallel_loop3A_208 : vector<16xi32>
        %parallel_loop3A_210 = arith.addi %parallel_loop3A_209, %and3A_4 : vector<16xi32>
        %parallel_loop3A_211 = tpu.vector_load_idx %arg7[%parallel_loop3A_210] : memref<2056xf32, #tpu.memory_space<vmem>>[vector<16xi32>], vector<16xf32>,
        %parallel_loop3A_212 = arith.constant 12 : i32
        %parallel_loop3A_213 = vector.broadcast %parallel_loop3A_212 : i32 to vector<16xi32>
        %parallel_loop3A_214 = arith.addi %parallel_loop3A_213, %shift_right_arithmetic3A_6 : vector<16xi32>
        %parallel_loop3A_215 = vector.shape_cast %parallel_loop3A_214 : vector<16xi32> to vector<16x1xi32>
        %parallel_loop3A_216 = vector.shape_cast %parallel_loop3A_215 : vector<16x1xi32> to vector<16xi32>
        %parallel_loop3A_217 = tpu.dynamic_gather %parallel_loop3A_141[%parallel_loop3A_216] in [0] : vector<16xi32>, vector<16xi32> -> vector<16xi32>
        %parallel_loop3A_218 = arith.constant 8 : i32
        %parallel_loop3A_219 = vector.broadcast %parallel_loop3A_218 : i32 to vector<16xi32>
        %parallel_loop3A_220 = arith.muli %parallel_loop3A_217, %parallel_loop3A_219 : vector<16xi32>
        %parallel_loop3A_221 = arith.addi %parallel_loop3A_220, %and3A_4 : vector<16xi32>
        %parallel_loop3A_222 = tpu.vector_load_idx %arg7[%parallel_loop3A_221] : memref<2056xf32, #tpu.memory_space<vmem>>[vector<16xi32>], vector<16xf32>,
        %parallel_loop3A_223 = arith.constant 14 : i32
        %parallel_loop3A_224 = vector.broadcast %parallel_loop3A_223 : i32 to vector<16xi32>
        %parallel_loop3A_225 = arith.addi %parallel_loop3A_224, %shift_right_arithmetic3A_6 : vector<16xi32>
        %parallel_loop3A_226 = vector.shape_cast %parallel_loop3A_225 : vector<16xi32> to vector<16x1xi32>
        %parallel_loop3A_227 = vector.shape_cast %parallel_loop3A_226 : vector<16x1xi32> to vector<16xi32>
        %parallel_loop3A_228 = tpu.dynamic_gather %parallel_loop3A_141[%parallel_loop3A_227] in [0] : vector<16xi32>, vector<16xi32> -> vector<16xi32>
        %parallel_loop3A_229 = arith.constant 8 : i32
        %parallel_loop3A_230 = vector.broadcast %parallel_loop3A_229 : i32 to vector<16xi32>
        %parallel_loop3A_231 = arith.muli %parallel_loop3A_228, %parallel_loop3A_230 : vector<16xi32>
        %parallel_loop3A_232 = arith.addi %parallel_loop3A_231, %and3A_4 : vector<16xi32>
        %parallel_loop3A_233 = tpu.vector_load_idx %arg7[%parallel_loop3A_232] : memref<2056xf32, #tpu.memory_space<vmem>>[vector<16xi32>], vector<16xf32>,
        %parallel_loop3A_234 = arith.constant 12 : i32
        %parallel_loop3A_235 = vector.broadcast %parallel_loop3A_234 : i32 to vector<16xi32>
        %parallel_loop3A_236 = arith.addi %parallel_loop3A_235, %shift_right_arithmetic3A_6 : vector<16xi32>
        %parallel_loop3A_237 = vector.shape_cast %parallel_loop3A_236 : vector<16xi32> to vector<16x1xi32>
        %parallel_loop3A_238 = vector.shape_cast %parallel_loop3A_237 : vector<16x1xi32> to vector<16xi32>
        %parallel_loop3A_239 = tpu.dynamic_gather %parallel_loop3A_145[%parallel_loop3A_238] in [0] : vector<16xi32>, vector<16xi32> -> vector<16xi32>
        %parallel_loop3A_240 = arith.constant 8 : i32
        %parallel_loop3A_241 = vector.broadcast %parallel_loop3A_240 : i32 to vector<16xi32>
        %parallel_loop3A_242 = arith.muli %parallel_loop3A_239, %parallel_loop3A_241 : vector<16xi32>
        %parallel_loop3A_243 = arith.addi %parallel_loop3A_242, %and3A_4 : vector<16xi32>
        %parallel_loop3A_244 = tpu.vector_load_idx %arg7[%parallel_loop3A_243] : memref<2056xf32, #tpu.memory_space<vmem>>[vector<16xi32>], vector<16xf32>,
        %parallel_loop3A_245 = arith.constant 14 : i32
        %parallel_loop3A_246 = vector.broadcast %parallel_loop3A_245 : i32 to vector<16xi32>
        %parallel_loop3A_247 = arith.addi %parallel_loop3A_246, %shift_right_arithmetic3A_6 : vector<16xi32>
        %parallel_loop3A_248 = vector.shape_cast %parallel_loop3A_247 : vector<16xi32> to vector<16x1xi32>
        %parallel_loop3A_249 = vector.shape_cast %parallel_loop3A_248 : vector<16x1xi32> to vector<16xi32>
        %parallel_loop3A_250 = tpu.dynamic_gather %parallel_loop3A_145[%parallel_loop3A_249] in [0] : vector<16xi32>, vector<16xi32> -> vector<16xi32>
        %parallel_loop3A_251 = arith.constant 8 : i32
        %parallel_loop3A_252 = vector.broadcast %parallel_loop3A_251 : i32 to vector<16xi32>
        %parallel_loop3A_253 = arith.muli %parallel_loop3A_250, %parallel_loop3A_252 : vector<16xi32>
        %parallel_loop3A_254 = arith.addi %parallel_loop3A_253, %and3A_4 : vector<16xi32>
        %parallel_loop3A_255 = tpu.vector_load_idx %arg7[%parallel_loop3A_254] : memref<2056xf32, #tpu.memory_space<vmem>>[vector<16xi32>], vector<16xf32>,
        %parallel_loop3A_256 = arith.constant 16 : i32
        %parallel_loop3A_257 = arith.addi %parallel_loop3A_132, %parallel_loop3A_256 : i32
        %parallel_loop3A_258 = arith.constant 0 : i32
        %parallel_loop3A_259 = arith.addi %parallel_loop3A_257, %parallel_loop3A_258 : i32
        %parallel_loop3A_260 = arith.index_cast %parallel_loop3A_259 : i32 to index
        %parallel_loop3A_261 = tpu.vector_load %arg14[%parallel_loop3A_260] {strides = array<i32>} : memref<22528xf32, #tpu.memory_space<vmem>>, vector<16xf32>,
        tpu.vector_store %arg14[%parallel_loop3A_260], %parallel_loop3A_156 {strides = array<i32>} : memref<22528xf32, #tpu.memory_space<vmem>>, vector<16xf32>,
        %parallel_loop3A_262 = arith.constant 16 : i32
        %parallel_loop3A_263 = arith.addi %parallel_loop3A_132, %parallel_loop3A_262 : i32
        %parallel_loop3A_264 = arith.constant 16 : i32
        %parallel_loop3A_265 = arith.addi %parallel_loop3A_263, %parallel_loop3A_264 : i32
        %parallel_loop3A_266 = arith.index_cast %parallel_loop3A_265 : i32 to index
        %parallel_loop3A_267 = tpu.vector_load %arg14[%parallel_loop3A_266] {strides = array<i32>} : memref<22528xf32, #tpu.memory_space<vmem>>, vector<16xf32>,
        tpu.vector_store %arg14[%parallel_loop3A_266], %parallel_loop3A_167 {strides = array<i32>} : memref<22528xf32, #tpu.memory_space<vmem>>, vector<16xf32>,
        %parallel_loop3A_268 = arith.constant 16 : i32
        %parallel_loop3A_269 = arith.addi %parallel_loop3A_132, %parallel_loop3A_268 : i32
        %parallel_loop3A_270 = arith.constant 32 : i32
        %parallel_loop3A_271 = arith.addi %parallel_loop3A_269, %parallel_loop3A_270 : i32
        %parallel_loop3A_272 = arith.index_cast %parallel_loop3A_271 : i32 to index
        %parallel_loop3A_273 = tpu.vector_load %arg14[%parallel_loop3A_272] {strides = array<i32>} : memref<22528xf32, #tpu.memory_space<vmem>>, vector<16xf32>,
        tpu.vector_store %arg14[%parallel_loop3A_272], %parallel_loop3A_178 {strides = array<i32>} : memref<22528xf32, #tpu.memory_space<vmem>>, vector<16xf32>,
        %parallel_loop3A_274 = arith.constant 16 : i32
        %parallel_loop3A_275 = arith.addi %parallel_loop3A_132, %parallel_loop3A_274 : i32
        %parallel_loop3A_276 = arith.constant 48 : i32
        %parallel_loop3A_277 = arith.addi %parallel_loop3A_275, %parallel_loop3A_276 : i32
        %parallel_loop3A_278 = arith.index_cast %parallel_loop3A_277 : i32 to index
        %parallel_loop3A_279 = tpu.vector_load %arg14[%parallel_loop3A_278] {strides = array<i32>} : memref<22528xf32, #tpu.memory_space<vmem>>, vector<16xf32>,
        tpu.vector_store %arg14[%parallel_loop3A_278], %parallel_loop3A_189 {strides = array<i32>} : memref<22528xf32, #tpu.memory_space<vmem>>, vector<16xf32>,
        %parallel_loop3A_280 = arith.constant 16 : i32
        %parallel_loop3A_281 = arith.addi %parallel_loop3A_132, %parallel_loop3A_280 : i32
        %parallel_loop3A_282 = arith.constant 64 : i32
        %parallel_loop3A_283 = arith.addi %parallel_loop3A_281, %parallel_loop3A_282 : i32
        %parallel_loop3A_284 = arith.index_cast %parallel_loop3A_283 : i32 to index
        %parallel_loop3A_285 = tpu.vector_load %arg14[%parallel_loop3A_284] {strides = array<i32>} : memref<22528xf32, #tpu.memory_space<vmem>>, vector<16xf32>,
        tpu.vector_store %arg14[%parallel_loop3A_284], %parallel_loop3A_200 {strides = array<i32>} : memref<22528xf32, #tpu.memory_space<vmem>>, vector<16xf32>,
        %parallel_loop3A_286 = arith.constant 16 : i32
        %parallel_loop3A_287 = arith.addi %parallel_loop3A_132, %parallel_loop3A_286 : i32
        %parallel_loop3A_288 = arith.constant 80 : i32
        %parallel_loop3A_289 = arith.addi %parallel_loop3A_287, %parallel_loop3A_288 : i32
        %parallel_loop3A_290 = arith.index_cast %parallel_loop3A_289 : i32 to index
        %parallel_loop3A_291 = tpu.vector_load %arg14[%parallel_loop3A_290] {strides = array<i32>} : memref<22528xf32, #tpu.memory_space<vmem>>, vector<16xf32>,
        tpu.vector_store %arg14[%parallel_loop3A_290], %parallel_loop3A_211 {strides = array<i32>} : memref<22528xf32, #tpu.memory_space<vmem>>, vector<16xf32>,
        %parallel_loop3A_292 = arith.constant 16 : i32
        %parallel_loop3A_293 = arith.addi %parallel_loop3A_132, %parallel_loop3A_292 : i32
        %parallel_loop3A_294 = arith.constant 96 : i32
        %parallel_loop3A_295 = arith.addi %parallel_loop3A_293, %parallel_loop3A_294 : i32
        %parallel_loop3A_296 = arith.index_cast %parallel_loop3A_295 : i32 to index
        %parallel_loop3A_297 = tpu.vector_load %arg14[%parallel_loop3A_296] {strides = array<i32>} : memref<22528xf32, #tpu.memory_space<vmem>>, vector<16xf32>,
        tpu.vector_store %arg14[%parallel_loop3A_296], %parallel_loop3A_222 {strides = array<i32>} : memref<22528xf32, #tpu.memory_space<vmem>>, vector<16xf32>,
        %parallel_loop3A_298 = arith.constant 16 : i32
        %parallel_loop3A_299 = arith.addi %parallel_loop3A_132, %parallel_loop3A_298 : i32
        %parallel_loop3A_300 = arith.constant 112 : i32
        %parallel_loop3A_301 = arith.addi %parallel_loop3A_299, %parallel_loop3A_300 : i32
        %parallel_loop3A_302 = arith.index_cast %parallel_loop3A_301 : i32 to index
        %parallel_loop3A_303 = tpu.vector_load %arg14[%parallel_loop3A_302] {strides = array<i32>} : memref<22528xf32, #tpu.memory_space<vmem>>, vector<16xf32>,
        tpu.vector_store %arg14[%parallel_loop3A_302], %parallel_loop3A_233 {strides = array<i32>} : memref<22528xf32, #tpu.memory_space<vmem>>, vector<16xf32>,
        %parallel_loop3A_304 = arith.constant 16 : i32
        %parallel_loop3A_305 = arith.addi %parallel_loop3A_132, %parallel_loop3A_304 : i32
        %parallel_loop3A_306 = arith.constant 128 : i32
        %parallel_loop3A_307 = arith.addi %parallel_loop3A_305, %parallel_loop3A_306 : i32
        %parallel_loop3A_308 = arith.index_cast %parallel_loop3A_307 : i32 to index
        %parallel_loop3A_309 = tpu.vector_load %arg14[%parallel_loop3A_308] {strides = array<i32>} : memref<22528xf32, #tpu.memory_space<vmem>>, vector<16xf32>,
        tpu.vector_store %arg14[%parallel_loop3A_308], %parallel_loop3A_244 {strides = array<i32>} : memref<22528xf32, #tpu.memory_space<vmem>>, vector<16xf32>,
        %parallel_loop3A_310 = arith.constant 16 : i32
        %parallel_loop3A_311 = arith.addi %parallel_loop3A_132, %parallel_loop3A_310 : i32
        %parallel_loop3A_312 = arith.constant 144 : i32
        %parallel_loop3A_313 = arith.addi %parallel_loop3A_311, %parallel_loop3A_312 : i32
        %parallel_loop3A_314 = arith.index_cast %parallel_loop3A_313 : i32 to index
        %parallel_loop3A_315 = tpu.vector_load %arg14[%parallel_loop3A_314] {strides = array<i32>} : memref<22528xf32, #tpu.memory_space<vmem>>, vector<16xf32>,
        tpu.vector_store %arg14[%parallel_loop3A_314], %parallel_loop3A_255 {strides = array<i32>} : memref<22528xf32, #tpu.memory_space<vmem>>, vector<16xf32>,
      } {sc.loop_unroll_factor = 2 : i64, sc.parallel_access}
      %parallel_loop3A_67 = arith.constant 0 : i32
      %parallel_loop3A_68 = arith.constant 8 : i32
      %parallel_loop3A_69 = arith.constant 1 : i32
      scf.for %parallel_loop3A_130 = %parallel_loop3A_67 to %parallel_loop3A_68 step %parallel_loop3A_69  : i32 {
        %parallel_loop3A_131 = arith.constant 16 : i32
        %parallel_loop3A_132 = arith.muli %parallel_loop3A_130, %parallel_loop3A_131 : i32
        %parallel_loop3A_133 = vector.broadcast %parallel_loop3A_132 : i32 to vector<16xi32>
        %parallel_loop3A_134 = arith.addi %parallel_loop3A_133, %iota3A : vector<16xi32>
        %parallel_loop3A_135 = arith.constant 176 : i32
        %parallel_loop3A_136 = vector.broadcast %parallel_loop3A_135 : i32 to vector<16xi32>
        %parallel_loop3A_137 = arith.muli %parallel_loop3A_134, %parallel_loop3A_136 : vector<16xi32>
        %parallel_loop3A_138 = arith.constant 16 : i32
        %parallel_loop3A_139 = arith.muli %parallel_loop3A_130, %parallel_loop3A_138 : i32
        %parallel_loop3A_140 = arith.index_cast %parallel_loop3A_139 : i32 to index
        %parallel_loop3A_141 = tpu.vector_load %arg10[%parallel_loop3A_140] {strides = array<i32>} : memref<128xi32, #tpu.memory_space<vmem>>, vector<16xi32>,
        %parallel_loop3A_142 = arith.constant 0 : i32
        %parallel_loop3A_143 = vector.broadcast %parallel_loop3A_142 : i32 to vector<16xi32>
        %parallel_loop3A_144 = arith.cmpi eq, %parallel_loop3A_141, %parallel_loop3A_143 : vector<16xi32>
        %parallel_loop3A_145 = arith.constant 0 : i32
        %parallel_loop3A_146 = vector.broadcast %parallel_loop3A_145 : i32 to vector<16xi32>
        %parallel_loop3A_147 = arith.addi %parallel_loop3A_137, %parallel_loop3A_146 : vector<16xi32>
        tpu.vector_store_idx %arg14[%parallel_loop3A_147], %broadcast_in_dim3A_7 masked %parallel_loop3A_144 : memref<22528xf32, #tpu.memory_space<vmem>>[vector<16xi32>], vector<16xf32>, vector<16xi1>
        %parallel_loop3A_148 = arith.constant 1 : i32
        %parallel_loop3A_149 = vector.broadcast %parallel_loop3A_148 : i32 to vector<16xi32>
        %parallel_loop3A_150 = arith.addi %parallel_loop3A_137, %parallel_loop3A_149 : vector<16xi32>
        tpu.vector_store_idx %arg14[%parallel_loop3A_150], %broadcast_in_dim3A_7 masked %parallel_loop3A_144 : memref<22528xf32, #tpu.memory_space<vmem>>[vector<16xi32>], vector<16xf32>, vector<16xi1>
        %parallel_loop3A_151 = arith.constant 2 : i32
        %parallel_loop3A_152 = vector.broadcast %parallel_loop3A_151 : i32 to vector<16xi32>
        %parallel_loop3A_153 = arith.addi %parallel_loop3A_137, %parallel_loop3A_152 : vector<16xi32>
        tpu.vector_store_idx %arg14[%parallel_loop3A_153], %broadcast_in_dim3A_7 masked %parallel_loop3A_144 : memref<22528xf32, #tpu.memory_space<vmem>>[vector<16xi32>], vector<16xf32>, vector<16xi1>
        %parallel_loop3A_154 = arith.constant 3 : i32
        %parallel_loop3A_155 = vector.broadcast %parallel_loop3A_154 : i32 to vector<16xi32>
        %parallel_loop3A_156 = arith.addi %parallel_loop3A_137, %parallel_loop3A_155 : vector<16xi32>
        tpu.vector_store_idx %arg14[%parallel_loop3A_156], %broadcast_in_dim3A_7 masked %parallel_loop3A_144 : memref<22528xf32, #tpu.memory_space<vmem>>[vector<16xi32>], vector<16xf32>, vector<16xi1>
        %parallel_loop3A_157 = arith.constant 4 : i32
        %parallel_loop3A_158 = vector.broadcast %parallel_loop3A_157 : i32 to vector<16xi32>
        %parallel_loop3A_159 = arith.addi %parallel_loop3A_137, %parallel_loop3A_158 : vector<16xi32>
        tpu.vector_store_idx %arg14[%parallel_loop3A_159], %broadcast_in_dim3A_7 masked %parallel_loop3A_144 : memref<22528xf32, #tpu.memory_space<vmem>>[vector<16xi32>], vector<16xf32>, vector<16xi1>
        %parallel_loop3A_160 = arith.constant 5 : i32
        %parallel_loop3A_161 = vector.broadcast %parallel_loop3A_160 : i32 to vector<16xi32>
        %parallel_loop3A_162 = arith.addi %parallel_loop3A_137, %parallel_loop3A_161 : vector<16xi32>
        tpu.vector_store_idx %arg14[%parallel_loop3A_162], %broadcast_in_dim3A_7 masked %parallel_loop3A_144 : memref<22528xf32, #tpu.memory_space<vmem>>[vector<16xi32>], vector<16xf32>, vector<16xi1>
        %parallel_loop3A_163 = arith.constant 6 : i32
        %parallel_loop3A_164 = vector.broadcast %parallel_loop3A_163 : i32 to vector<16xi32>
        %parallel_loop3A_165 = arith.addi %parallel_loop3A_137, %parallel_loop3A_164 : vector<16xi32>
        tpu.vector_store_idx %arg14[%parallel_loop3A_165], %broadcast_in_dim3A_7 masked %parallel_loop3A_144 : memref<22528xf32, #tpu.memory_space<vmem>>[vector<16xi32>], vector<16xf32>, vector<16xi1>
        %parallel_loop3A_166 = arith.constant 7 : i32
        %parallel_loop3A_167 = vector.broadcast %parallel_loop3A_166 : i32 to vector<16xi32>
        %parallel_loop3A_168 = arith.addi %parallel_loop3A_137, %parallel_loop3A_167 : vector<16xi32>
        tpu.vector_store_idx %arg14[%parallel_loop3A_168], %broadcast_in_dim3A_7 masked %parallel_loop3A_144 : memref<22528xf32, #tpu.memory_space<vmem>>[vector<16xi32>], vector<16xf32>, vector<16xi1>
        %parallel_loop3A_169 = arith.constant 8 : i32
        %parallel_loop3A_170 = vector.broadcast %parallel_loop3A_169 : i32 to vector<16xi32>
        %parallel_loop3A_171 = arith.addi %parallel_loop3A_137, %parallel_loop3A_170 : vector<16xi32>
        tpu.vector_store_idx %arg14[%parallel_loop3A_171], %broadcast_in_dim3A_7 masked %parallel_loop3A_144 : memref<22528xf32, #tpu.memory_space<vmem>>[vector<16xi32>], vector<16xf32>, vector<16xi1>
        %parallel_loop3A_172 = arith.constant 9 : i32
        %parallel_loop3A_173 = vector.broadcast %parallel_loop3A_172 : i32 to vector<16xi32>
        %parallel_loop3A_174 = arith.addi %parallel_loop3A_137, %parallel_loop3A_173 : vector<16xi32>
        tpu.vector_store_idx %arg14[%parallel_loop3A_174], %broadcast_in_dim3A_7 masked %parallel_loop3A_144 : memref<22528xf32, #tpu.memory_space<vmem>>[vector<16xi32>], vector<16xf32>, vector<16xi1>
        %parallel_loop3A_175 = arith.constant 10 : i32
        %parallel_loop3A_176 = vector.broadcast %parallel_loop3A_175 : i32 to vector<16xi32>
        %parallel_loop3A_177 = arith.addi %parallel_loop3A_137, %parallel_loop3A_176 : vector<16xi32>
        tpu.vector_store_idx %arg14[%parallel_loop3A_177], %broadcast_in_dim3A_7 masked %parallel_loop3A_144 : memref<22528xf32, #tpu.memory_space<vmem>>[vector<16xi32>], vector<16xf32>, vector<16xi1>
        %parallel_loop3A_178 = arith.constant 11 : i32
        %parallel_loop3A_179 = vector.broadcast %parallel_loop3A_178 : i32 to vector<16xi32>
        %parallel_loop3A_180 = arith.addi %parallel_loop3A_137, %parallel_loop3A_179 : vector<16xi32>
        tpu.vector_store_idx %arg14[%parallel_loop3A_180], %broadcast_in_dim3A_7 masked %parallel_loop3A_144 : memref<22528xf32, #tpu.memory_space<vmem>>[vector<16xi32>], vector<16xf32>, vector<16xi1>
        %parallel_loop3A_181 = arith.constant 12 : i32
        %parallel_loop3A_182 = vector.broadcast %parallel_loop3A_181 : i32 to vector<16xi32>
        %parallel_loop3A_183 = arith.addi %parallel_loop3A_137, %parallel_loop3A_182 : vector<16xi32>
        tpu.vector_store_idx %arg14[%parallel_loop3A_183], %broadcast_in_dim3A_7 masked %parallel_loop3A_144 : memref<22528xf32, #tpu.memory_space<vmem>>[vector<16xi32>], vector<16xf32>, vector<16xi1>
        %parallel_loop3A_184 = arith.constant 13 : i32
        %parallel_loop3A_185 = vector.broadcast %parallel_loop3A_184 : i32 to vector<16xi32>
        %parallel_loop3A_186 = arith.addi %parallel_loop3A_137, %parallel_loop3A_185 : vector<16xi32>
        tpu.vector_store_idx %arg14[%parallel_loop3A_186], %broadcast_in_dim3A_7 masked %parallel_loop3A_144 : memref<22528xf32, #tpu.memory_space<vmem>>[vector<16xi32>], vector<16xf32>, vector<16xi1>
        %parallel_loop3A_187 = arith.constant 14 : i32
        %parallel_loop3A_188 = vector.broadcast %parallel_loop3A_187 : i32 to vector<16xi32>
        %parallel_loop3A_189 = arith.addi %parallel_loop3A_137, %parallel_loop3A_188 : vector<16xi32>
        tpu.vector_store_idx %arg14[%parallel_loop3A_189], %broadcast_in_dim3A_7 masked %parallel_loop3A_144 : memref<22528xf32, #tpu.memory_space<vmem>>[vector<16xi32>], vector<16xf32>, vector<16xi1>
        %parallel_loop3A_190 = arith.constant 15 : i32
        %parallel_loop3A_191 = vector.broadcast %parallel_loop3A_190 : i32 to vector<16xi32>
        %parallel_loop3A_192 = arith.addi %parallel_loop3A_137, %parallel_loop3A_191 : vector<16xi32>
        tpu.vector_store_idx %arg14[%parallel_loop3A_192], %broadcast_in_dim3A_7 masked %parallel_loop3A_144 : memref<22528xf32, #tpu.memory_space<vmem>>[vector<16xi32>], vector<16xf32>, vector<16xi1>
      } {sc.loop_unroll_factor = 1 : i64, sc.parallel_access}
      %mul3A_70 = arith.constant 128 : i32
      %mul3A_71 = arith.muli %add3A_59, %mul3A_70 : i32
      %add3A_72 = arith.addi %mul3A_2, %mul3A_71 : i32
      %mul3A_73 = arith.constant 176 : i32
      %mul3A_74 = arith.muli %add3A_72, %mul3A_73 : i32
      %dma_start3A_75 = tpu.memref_slice %arg6[%mul3A_74] : memref<36044800xf32, #tpu.memory_space<hbm>> -> memref<22528xf32, #tpu.memory_space<hbm>>
      %dma_start3A_76 = tpu.memref_slice %arg6[%mul3A_74] : memref<36044800xf32, #tpu.memory_space<hbm>> -> memref<22528xf32, #tpu.memory_space<hbm>>
      tpu.enqueue_dma source(%arg14 : memref<22528xf32, #tpu.memory_space<vmem>>) target(%dma_start3A_76 : memref<22528xf32, #tpu.memory_space<hbm>>) target_semaphore(%arg21 : memref<!tpu.dma_semaphore, #tpu.memory_space<semaphore_mem>>)
      %add3A_77 = arith.constant 1 : i32
      %add3A_78 = arith.addi %add3A_59, %add3A_77 : i32
      %lt3A_79 = arith.constant 50 : i32
      %lt3A_80 = arith.cmpi slt, %add3A_78, %lt3A_79 : i32
      %convert_element_type3A_81 = arith.extui %lt3A_80 : i1 to i32
      %cond3A_82 = arith.constant 0 : i32
      %cond3A_83 = arith.cmpi ne, %convert_element_type3A_81, %cond3A_82 : i32
      scf.if %cond3A_83 {
        %dma_wait3A_130 = arith.constant 0 : i32
        %dma_wait3A_131 = tpu.memref_slice %arg2[%dma_wait3A_130] : memref<4096000xi32, #tpu.memory_space<hbm>> -> memref<2560xi32, #tpu.memory_space<hbm>>
        %dma_wait3A_132 = arith.constant 0 : i32
        %dma_wait3A_133 = tpu.memref_slice %arg2[%dma_wait3A_132] : memref<4096000xi32, #tpu.memory_space<hbm>> -> memref<2560xi32, #tpu.memory_space<hbm>>
        tpu.wait_dma2 semaphore(%arg18 : memref<!tpu.dma_semaphore, #tpu.memory_space<semaphore_mem>>) src(%dma_wait3A_133 : memref<2560xi32, #tpu.memory_space<hbm>>) dst(%arg9 : memref<2560xi32, #tpu.memory_space<vmem>>)
        %dma_wait3A_134 = arith.constant 0 : i32
        %dma_wait3A_135 = tpu.memref_slice %arg3[%dma_wait3A_134] : memref<204800xi32, #tpu.memory_space<hbm>> -> memref<128xi32, #tpu.memory_space<hbm>>
        %dma_wait3A_136 = arith.constant 0 : i32
        %dma_wait3A_137 = tpu.memref_slice %arg3[%dma_wait3A_136] : memref<204800xi32, #tpu.memory_space<hbm>> -> memref<128xi32, #tpu.memory_space<hbm>>
        tpu.wait_dma2 semaphore(%arg18 : memref<!tpu.dma_semaphore, #tpu.memory_space<semaphore_mem>>) src(%dma_wait3A_137 : memref<128xi32, #tpu.memory_space<hbm>>) dst(%arg11 : memref<128xi32, #tpu.memory_space<vmem>>)
        %dma_start3A_138 = arith.constant 0 : i32
        %dma_start3A_139 = arith.constant 0 : i32
        %dma_start3A_140 = tpu.memref_slice %arg5[%dma_start3A_138, %dma_start3A_139] : memref<100001x16xf32, #tpu.memory_space<hbm>> -> memref<100001x16xf32, #tpu.memory_space<hbm>>
        tpu.enqueue_indirect_dma source(%dma_start3A_140 : memref<100001x16xf32, #tpu.memory_space<hbm>>) target(%arg13 : memref<128x16xf32, #tpu.memory_space<vmem>>) offsets(%arg11 : memref<128xi32, #tpu.memory_space<vmem>>) semaphore(%arg20 : memref<!tpu.dma_semaphore, #tpu.memory_space<semaphore_mem>>)
      } else {
      }
      %add3A_84 = arith.constant 2 : i32
      %add3A_85 = arith.addi %add3A_59, %add3A_84 : i32
      %lt3A_86 = arith.constant 50 : i32
      %lt3A_87 = arith.cmpi slt, %add3A_85, %lt3A_86 : i32
      %convert_element_type3A_88 = arith.extui %lt3A_87 : i1 to i32
      %cond3A_89 = arith.constant 0 : i32
      %cond3A_90 = arith.cmpi ne, %convert_element_type3A_88, %cond3A_89 : i32
      scf.if %cond3A_90 {
        %add3A_130 = arith.constant 2 : i32
        %add3A_131 = arith.addi %add3A_59, %add3A_130 : i32
        %mul3A_132 = arith.constant 128 : i32
        %mul3A_133 = arith.muli %add3A_131, %mul3A_132 : i32
        %add3A_134 = arith.addi %mul3A_2, %mul3A_133 : i32
        %mul3A_135 = arith.constant 20 : i32
        %mul3A_136 = arith.muli %add3A_134, %mul3A_135 : i32
        %dma_start3A_137 = tpu.memref_slice %arg2[%mul3A_136] : memref<4096000xi32, #tpu.memory_space<hbm>> -> memref<2560xi32, #tpu.memory_space<hbm>>
        %dma_start3A_138 = tpu.memref_slice %arg2[%mul3A_136] : memref<4096000xi32, #tpu.memory_space<hbm>> -> memref<2560xi32, #tpu.memory_space<hbm>>
        tpu.enqueue_dma source(%dma_start3A_138 : memref<2560xi32, #tpu.memory_space<hbm>>) target(%arg8 : memref<2560xi32, #tpu.memory_space<vmem>>) target_semaphore(%arg17 : memref<!tpu.dma_semaphore, #tpu.memory_space<semaphore_mem>>)
        %dma_start3A_139 = tpu.memref_slice %arg3[%add3A_134] : memref<204800xi32, #tpu.memory_space<hbm>> -> memref<128xi32, #tpu.memory_space<hbm>>
        %dma_start3A_140 = tpu.memref_slice %arg3[%add3A_134] : memref<204800xi32, #tpu.memory_space<hbm>> -> memref<128xi32, #tpu.memory_space<hbm>>
        tpu.enqueue_dma source(%dma_start3A_140 : memref<128xi32, #tpu.memory_space<hbm>>) target(%arg10 : memref<128xi32, #tpu.memory_space<vmem>>) target_semaphore(%arg17 : memref<!tpu.dma_semaphore, #tpu.memory_space<semaphore_mem>>)
      } else {
      }
      %mul3A_91 = arith.constant 2 : i32
      %mul3A_92 = arith.muli %scan3A_55, %mul3A_91 : i32
      %add3A_93 = arith.constant 1 : i32
      %add3A_94 = arith.addi %mul3A_92, %add3A_93 : i32
      %dma_wait3A_95 = arith.constant 0 : i32
      %dma_wait3A_96 = arith.constant 0 : i32
      %dma_wait3A_97 = tpu.memref_slice %arg5[%dma_wait3A_95, %dma_wait3A_96] : memref<100001x16xf32, #tpu.memory_space<hbm>> -> memref<100001x16xf32, #tpu.memory_space<hbm>>
      tpu.wait_indirect_dma semaphore(%arg20 : memref<!tpu.dma_semaphore, #tpu.memory_space<semaphore_mem>>) src(%dma_wait3A_97 : memref<100001x16xf32, #tpu.memory_space<hbm>>) dst(%arg13 : memref<128x16xf32, #tpu.memory_space<vmem>>)
      %ge3A_98 = arith.constant 2 : i32
      %ge3A_99 = arith.cmpi sge, %add3A_94, %ge3A_98 : i32
      %convert_element_type3A_100 = arith.extui %ge3A_99 : i1 to i32
      %cond3A_101 = arith.constant 0 : i32
      %cond3A_102 = arith.cmpi ne, %convert_element_type3A_100, %cond3A_101 : i32
      scf.if %cond3A_102 {
        %sub3A = arith.constant 2 : i32
        %sub3A_130 = arith.subi %add3A_94, %sub3A : i32
        %mul3A_131 = arith.constant 128 : i32
        %mul3A_132 = arith.muli %sub3A_130, %mul3A_131 : i32
        %add3A_133 = arith.addi %mul3A_2, %mul3A_132 : i32
        %mul3A_134 = arith.constant 176 : i32
        %mul3A_135 = arith.muli %add3A_133, %mul3A_134 : i32
        %dma_wait3A_136 = tpu.memref_slice %arg6[%mul3A_135] : memref<36044800xf32, #tpu.memory_space<hbm>> -> memref<22528xf32, #tpu.memory_space<hbm>>
        %dma_wait3A_137 = tpu.memref_slice %arg6[%mul3A_135] : memref<36044800xf32, #tpu.memory_space<hbm>> -> memref<22528xf32, #tpu.memory_space<hbm>>
        tpu.wait_dma2 semaphore(%arg22 : memref<!tpu.dma_semaphore, #tpu.memory_space<semaphore_mem>>) src(%arg15 : memref<22528xf32, #tpu.memory_space<vmem>>) dst(%dma_wait3A_137 : memref<22528xf32, #tpu.memory_space<hbm>>)
      } else {
      }
      %parallel_loop3A_103 = arith.constant 0 : i32
      %parallel_loop3A_104 = arith.constant 128 : i32
      %parallel_loop3A_105 = arith.constant 1 : i32
      scf.for %parallel_loop3A_130 = %parallel_loop3A_103 to %parallel_loop3A_104 step %parallel_loop3A_105  : i32 {
        %parallel_loop3A_131 = arith.constant 176 : i32
        %parallel_loop3A_132 = arith.muli %parallel_loop3A_130, %parallel_loop3A_131 : i32
        %parallel_loop3A_133 = arith.constant 20 : i32
        %parallel_loop3A_134 = arith.muli %parallel_loop3A_130, %parallel_loop3A_133 : i32
        %parallel_loop3A_135 = arith.index_cast %parallel_loop3A_130 : i32 to index
        %parallel_loop3A_136 = arith.constant 0 : index
        %parallel_loop3A_137 = tpu.vector_load %arg13[%parallel_loop3A_135, %parallel_loop3A_136] {strides = array<i32>} : memref<128x16xf32, #tpu.memory_space<vmem>>, vector<16xf32>,
        %parallel_loop3A_138 = arith.index_cast %parallel_loop3A_132 : i32 to index
        %parallel_loop3A_139 = tpu.vector_load %arg15[%parallel_loop3A_138] {strides = array<i32>} : memref<22528xf32, #tpu.memory_space<vmem>>, vector<16xf32>,
        tpu.vector_store %arg15[%parallel_loop3A_138], %parallel_loop3A_137 {strides = array<i32>} : memref<22528xf32, #tpu.memory_space<vmem>>, vector<16xf32>,
        %parallel_loop3A_140 = arith.index_cast %parallel_loop3A_134 : i32 to index
        %parallel_loop3A_141 = tpu.vector_load %arg9[%parallel_loop3A_140] {strides = array<i32>} : memref<2560xi32, #tpu.memory_space<vmem>>, vector<16xi32>,
        %parallel_loop3A_142 = arith.constant 4 : i32
        %parallel_loop3A_143 = arith.addi %parallel_loop3A_134, %parallel_loop3A_142 : i32
        %parallel_loop3A_144 = arith.index_cast %parallel_loop3A_143 : i32 to index
        %parallel_loop3A_145 = tpu.vector_load %arg9[%parallel_loop3A_144] {strides = array<i32>} : memref<2560xi32, #tpu.memory_space<vmem>>, vector<16xi32>,
        %parallel_loop3A_146 = arith.constant 0 : i32
        %parallel_loop3A_147 = vector.broadcast %parallel_loop3A_146 : i32 to vector<16xi32>
        %parallel_loop3A_148 = arith.addi %parallel_loop3A_147, %shift_right_arithmetic3A_6 : vector<16xi32>
        %parallel_loop3A_149 = vector.shape_cast %parallel_loop3A_148 : vector<16xi32> to vector<16x1xi32>
        %parallel_loop3A_150 = vector.shape_cast %parallel_loop3A_149 : vector<16x1xi32> to vector<16xi32>
        %parallel_loop3A_151 = tpu.dynamic_gather %parallel_loop3A_141[%parallel_loop3A_150] in [0] : vector<16xi32>, vector<16xi32> -> vector<16xi32>
        %parallel_loop3A_152 = arith.constant 8 : i32
        %parallel_loop3A_153 = vector.broadcast %parallel_loop3A_152 : i32 to vector<16xi32>
        %parallel_loop3A_154 = arith.muli %parallel_loop3A_151, %parallel_loop3A_153 : vector<16xi32>
        %parallel_loop3A_155 = arith.addi %parallel_loop3A_154, %and3A_4 : vector<16xi32>
        %parallel_loop3A_156 = tpu.vector_load_idx %arg7[%parallel_loop3A_155] : memref<2056xf32, #tpu.memory_space<vmem>>[vector<16xi32>], vector<16xf32>,
        %parallel_loop3A_157 = arith.constant 2 : i32
        %parallel_loop3A_158 = vector.broadcast %parallel_loop3A_157 : i32 to vector<16xi32>
        %parallel_loop3A_159 = arith.addi %parallel_loop3A_158, %shift_right_arithmetic3A_6 : vector<16xi32>
        %parallel_loop3A_160 = vector.shape_cast %parallel_loop3A_159 : vector<16xi32> to vector<16x1xi32>
        %parallel_loop3A_161 = vector.shape_cast %parallel_loop3A_160 : vector<16x1xi32> to vector<16xi32>
        %parallel_loop3A_162 = tpu.dynamic_gather %parallel_loop3A_141[%parallel_loop3A_161] in [0] : vector<16xi32>, vector<16xi32> -> vector<16xi32>
        %parallel_loop3A_163 = arith.constant 8 : i32
        %parallel_loop3A_164 = vector.broadcast %parallel_loop3A_163 : i32 to vector<16xi32>
        %parallel_loop3A_165 = arith.muli %parallel_loop3A_162, %parallel_loop3A_164 : vector<16xi32>
        %parallel_loop3A_166 = arith.addi %parallel_loop3A_165, %and3A_4 : vector<16xi32>
        %parallel_loop3A_167 = tpu.vector_load_idx %arg7[%parallel_loop3A_166] : memref<2056xf32, #tpu.memory_space<vmem>>[vector<16xi32>], vector<16xf32>,
        %parallel_loop3A_168 = arith.constant 4 : i32
        %parallel_loop3A_169 = vector.broadcast %parallel_loop3A_168 : i32 to vector<16xi32>
        %parallel_loop3A_170 = arith.addi %parallel_loop3A_169, %shift_right_arithmetic3A_6 : vector<16xi32>
        %parallel_loop3A_171 = vector.shape_cast %parallel_loop3A_170 : vector<16xi32> to vector<16x1xi32>
        %parallel_loop3A_172 = vector.shape_cast %parallel_loop3A_171 : vector<16x1xi32> to vector<16xi32>
        %parallel_loop3A_173 = tpu.dynamic_gather %parallel_loop3A_141[%parallel_loop3A_172] in [0] : vector<16xi32>, vector<16xi32> -> vector<16xi32>
        %parallel_loop3A_174 = arith.constant 8 : i32
        %parallel_loop3A_175 = vector.broadcast %parallel_loop3A_174 : i32 to vector<16xi32>
        %parallel_loop3A_176 = arith.muli %parallel_loop3A_173, %parallel_loop3A_175 : vector<16xi32>
        %parallel_loop3A_177 = arith.addi %parallel_loop3A_176, %and3A_4 : vector<16xi32>
        %parallel_loop3A_178 = tpu.vector_load_idx %arg7[%parallel_loop3A_177] : memref<2056xf32, #tpu.memory_space<vmem>>[vector<16xi32>], vector<16xf32>,
        %parallel_loop3A_179 = arith.constant 6 : i32
        %parallel_loop3A_180 = vector.broadcast %parallel_loop3A_179 : i32 to vector<16xi32>
        %parallel_loop3A_181 = arith.addi %parallel_loop3A_180, %shift_right_arithmetic3A_6 : vector<16xi32>
        %parallel_loop3A_182 = vector.shape_cast %parallel_loop3A_181 : vector<16xi32> to vector<16x1xi32>
        %parallel_loop3A_183 = vector.shape_cast %parallel_loop3A_182 : vector<16x1xi32> to vector<16xi32>
        %parallel_loop3A_184 = tpu.dynamic_gather %parallel_loop3A_141[%parallel_loop3A_183] in [0] : vector<16xi32>, vector<16xi32> -> vector<16xi32>
        %parallel_loop3A_185 = arith.constant 8 : i32
        %parallel_loop3A_186 = vector.broadcast %parallel_loop3A_185 : i32 to vector<16xi32>
        %parallel_loop3A_187 = arith.muli %parallel_loop3A_184, %parallel_loop3A_186 : vector<16xi32>
        %parallel_loop3A_188 = arith.addi %parallel_loop3A_187, %and3A_4 : vector<16xi32>
        %parallel_loop3A_189 = tpu.vector_load_idx %arg7[%parallel_loop3A_188] : memref<2056xf32, #tpu.memory_space<vmem>>[vector<16xi32>], vector<16xf32>,
        %parallel_loop3A_190 = arith.constant 8 : i32
        %parallel_loop3A_191 = vector.broadcast %parallel_loop3A_190 : i32 to vector<16xi32>
        %parallel_loop3A_192 = arith.addi %parallel_loop3A_191, %shift_right_arithmetic3A_6 : vector<16xi32>
        %parallel_loop3A_193 = vector.shape_cast %parallel_loop3A_192 : vector<16xi32> to vector<16x1xi32>
        %parallel_loop3A_194 = vector.shape_cast %parallel_loop3A_193 : vector<16x1xi32> to vector<16xi32>
        %parallel_loop3A_195 = tpu.dynamic_gather %parallel_loop3A_141[%parallel_loop3A_194] in [0] : vector<16xi32>, vector<16xi32> -> vector<16xi32>
        %parallel_loop3A_196 = arith.constant 8 : i32
        %parallel_loop3A_197 = vector.broadcast %parallel_loop3A_196 : i32 to vector<16xi32>
        %parallel_loop3A_198 = arith.muli %parallel_loop3A_195, %parallel_loop3A_197 : vector<16xi32>
        %parallel_loop3A_199 = arith.addi %parallel_loop3A_198, %and3A_4 : vector<16xi32>
        %parallel_loop3A_200 = tpu.vector_load_idx %arg7[%parallel_loop3A_199] : memref<2056xf32, #tpu.memory_space<vmem>>[vector<16xi32>], vector<16xf32>,
        %parallel_loop3A_201 = arith.constant 10 : i32
        %parallel_loop3A_202 = vector.broadcast %parallel_loop3A_201 : i32 to vector<16xi32>
        %parallel_loop3A_203 = arith.addi %parallel_loop3A_202, %shift_right_arithmetic3A_6 : vector<16xi32>
        %parallel_loop3A_204 = vector.shape_cast %parallel_loop3A_203 : vector<16xi32> to vector<16x1xi32>
        %parallel_loop3A_205 = vector.shape_cast %parallel_loop3A_204 : vector<16x1xi32> to vector<16xi32>
        %parallel_loop3A_206 = tpu.dynamic_gather %parallel_loop3A_141[%parallel_loop3A_205] in [0] : vector<16xi32>, vector<16xi32> -> vector<16xi32>
        %parallel_loop3A_207 = arith.constant 8 : i32
        %parallel_loop3A_208 = vector.broadcast %parallel_loop3A_207 : i32 to vector<16xi32>
        %parallel_loop3A_209 = arith.muli %parallel_loop3A_206, %parallel_loop3A_208 : vector<16xi32>
        %parallel_loop3A_210 = arith.addi %parallel_loop3A_209, %and3A_4 : vector<16xi32>
        %parallel_loop3A_211 = tpu.vector_load_idx %arg7[%parallel_loop3A_210] : memref<2056xf32, #tpu.memory_space<vmem>>[vector<16xi32>], vector<16xf32>,
        %parallel_loop3A_212 = arith.constant 12 : i32
        %parallel_loop3A_213 = vector.broadcast %parallel_loop3A_212 : i32 to vector<16xi32>
        %parallel_loop3A_214 = arith.addi %parallel_loop3A_213, %shift_right_arithmetic3A_6 : vector<16xi32>
        %parallel_loop3A_215 = vector.shape_cast %parallel_loop3A_214 : vector<16xi32> to vector<16x1xi32>
        %parallel_loop3A_216 = vector.shape_cast %parallel_loop3A_215 : vector<16x1xi32> to vector<16xi32>
        %parallel_loop3A_217 = tpu.dynamic_gather %parallel_loop3A_141[%parallel_loop3A_216] in [0] : vector<16xi32>, vector<16xi32> -> vector<16xi32>
        %parallel_loop3A_218 = arith.constant 8 : i32
        %parallel_loop3A_219 = vector.broadcast %parallel_loop3A_218 : i32 to vector<16xi32>
        %parallel_loop3A_220 = arith.muli %parallel_loop3A_217, %parallel_loop3A_219 : vector<16xi32>
        %parallel_loop3A_221 = arith.addi %parallel_loop3A_220, %and3A_4 : vector<16xi32>
        %parallel_loop3A_222 = tpu.vector_load_idx %arg7[%parallel_loop3A_221] : memref<2056xf32, #tpu.memory_space<vmem>>[vector<16xi32>], vector<16xf32>,
        %parallel_loop3A_223 = arith.constant 14 : i32
        %parallel_loop3A_224 = vector.broadcast %parallel_loop3A_223 : i32 to vector<16xi32>
        %parallel_loop3A_225 = arith.addi %parallel_loop3A_224, %shift_right_arithmetic3A_6 : vector<16xi32>
        %parallel_loop3A_226 = vector.shape_cast %parallel_loop3A_225 : vector<16xi32> to vector<16x1xi32>
        %parallel_loop3A_227 = vector.shape_cast %parallel_loop3A_226 : vector<16x1xi32> to vector<16xi32>
        %parallel_loop3A_228 = tpu.dynamic_gather %parallel_loop3A_141[%parallel_loop3A_227] in [0] : vector<16xi32>, vector<16xi32> -> vector<16xi32>
        %parallel_loop3A_229 = arith.constant 8 : i32
        %parallel_loop3A_230 = vector.broadcast %parallel_loop3A_229 : i32 to vector<16xi32>
        %parallel_loop3A_231 = arith.muli %parallel_loop3A_228, %parallel_loop3A_230 : vector<16xi32>
        %parallel_loop3A_232 = arith.addi %parallel_loop3A_231, %and3A_4 : vector<16xi32>
        %parallel_loop3A_233 = tpu.vector_load_idx %arg7[%parallel_loop3A_232] : memref<2056xf32, #tpu.memory_space<vmem>>[vector<16xi32>], vector<16xf32>,
        %parallel_loop3A_234 = arith.constant 12 : i32
        %parallel_loop3A_235 = vector.broadcast %parallel_loop3A_234 : i32 to vector<16xi32>
        %parallel_loop3A_236 = arith.addi %parallel_loop3A_235, %shift_right_arithmetic3A_6 : vector<16xi32>
        %parallel_loop3A_237 = vector.shape_cast %parallel_loop3A_236 : vector<16xi32> to vector<16x1xi32>
        %parallel_loop3A_238 = vector.shape_cast %parallel_loop3A_237 : vector<16x1xi32> to vector<16xi32>
        %parallel_loop3A_239 = tpu.dynamic_gather %parallel_loop3A_145[%parallel_loop3A_238] in [0] : vector<16xi32>, vector<16xi32> -> vector<16xi32>
        %parallel_loop3A_240 = arith.constant 8 : i32
        %parallel_loop3A_241 = vector.broadcast %parallel_loop3A_240 : i32 to vector<16xi32>
        %parallel_loop3A_242 = arith.muli %parallel_loop3A_239, %parallel_loop3A_241 : vector<16xi32>
        %parallel_loop3A_243 = arith.addi %parallel_loop3A_242, %and3A_4 : vector<16xi32>
        %parallel_loop3A_244 = tpu.vector_load_idx %arg7[%parallel_loop3A_243] : memref<2056xf32, #tpu.memory_space<vmem>>[vector<16xi32>], vector<16xf32>,
        %parallel_loop3A_245 = arith.constant 14 : i32
        %parallel_loop3A_246 = vector.broadcast %parallel_loop3A_245 : i32 to vector<16xi32>
        %parallel_loop3A_247 = arith.addi %parallel_loop3A_246, %shift_right_arithmetic3A_6 : vector<16xi32>
        %parallel_loop3A_248 = vector.shape_cast %parallel_loop3A_247 : vector<16xi32> to vector<16x1xi32>
        %parallel_loop3A_249 = vector.shape_cast %parallel_loop3A_248 : vector<16x1xi32> to vector<16xi32>
        %parallel_loop3A_250 = tpu.dynamic_gather %parallel_loop3A_145[%parallel_loop3A_249] in [0] : vector<16xi32>, vector<16xi32> -> vector<16xi32>
        %parallel_loop3A_251 = arith.constant 8 : i32
        %parallel_loop3A_252 = vector.broadcast %parallel_loop3A_251 : i32 to vector<16xi32>
        %parallel_loop3A_253 = arith.muli %parallel_loop3A_250, %parallel_loop3A_252 : vector<16xi32>
        %parallel_loop3A_254 = arith.addi %parallel_loop3A_253, %and3A_4 : vector<16xi32>
        %parallel_loop3A_255 = tpu.vector_load_idx %arg7[%parallel_loop3A_254] : memref<2056xf32, #tpu.memory_space<vmem>>[vector<16xi32>], vector<16xf32>,
        %parallel_loop3A_256 = arith.constant 16 : i32
        %parallel_loop3A_257 = arith.addi %parallel_loop3A_132, %parallel_loop3A_256 : i32
        %parallel_loop3A_258 = arith.constant 0 : i32
        %parallel_loop3A_259 = arith.addi %parallel_loop3A_257, %parallel_loop3A_258 : i32
        %parallel_loop3A_260 = arith.index_cast %parallel_loop3A_259 : i32 to index
        %parallel_loop3A_261 = tpu.vector_load %arg15[%parallel_loop3A_260] {strides = array<i32>} : memref<22528xf32, #tpu.memory_space<vmem>>, vector<16xf32>,
        tpu.vector_store %arg15[%parallel_loop3A_260], %parallel_loop3A_156 {strides = array<i32>} : memref<22528xf32, #tpu.memory_space<vmem>>, vector<16xf32>,
        %parallel_loop3A_262 = arith.constant 16 : i32
        %parallel_loop3A_263 = arith.addi %parallel_loop3A_132, %parallel_loop3A_262 : i32
        %parallel_loop3A_264 = arith.constant 16 : i32
        %parallel_loop3A_265 = arith.addi %parallel_loop3A_263, %parallel_loop3A_264 : i32
        %parallel_loop3A_266 = arith.index_cast %parallel_loop3A_265 : i32 to index
        %parallel_loop3A_267 = tpu.vector_load %arg15[%parallel_loop3A_266] {strides = array<i32>} : memref<22528xf32, #tpu.memory_space<vmem>>, vector<16xf32>,
        tpu.vector_store %arg15[%parallel_loop3A_266], %parallel_loop3A_167 {strides = array<i32>} : memref<22528xf32, #tpu.memory_space<vmem>>, vector<16xf32>,
        %parallel_loop3A_268 = arith.constant 16 : i32
        %parallel_loop3A_269 = arith.addi %parallel_loop3A_132, %parallel_loop3A_268 : i32
        %parallel_loop3A_270 = arith.constant 32 : i32
        %parallel_loop3A_271 = arith.addi %parallel_loop3A_269, %parallel_loop3A_270 : i32
        %parallel_loop3A_272 = arith.index_cast %parallel_loop3A_271 : i32 to index
        %parallel_loop3A_273 = tpu.vector_load %arg15[%parallel_loop3A_272] {strides = array<i32>} : memref<22528xf32, #tpu.memory_space<vmem>>, vector<16xf32>,
        tpu.vector_store %arg15[%parallel_loop3A_272], %parallel_loop3A_178 {strides = array<i32>} : memref<22528xf32, #tpu.memory_space<vmem>>, vector<16xf32>,
        %parallel_loop3A_274 = arith.constant 16 : i32
        %parallel_loop3A_275 = arith.addi %parallel_loop3A_132, %parallel_loop3A_274 : i32
        %parallel_loop3A_276 = arith.constant 48 : i32
        %parallel_loop3A_277 = arith.addi %parallel_loop3A_275, %parallel_loop3A_276 : i32
        %parallel_loop3A_278 = arith.index_cast %parallel_loop3A_277 : i32 to index
        %parallel_loop3A_279 = tpu.vector_load %arg15[%parallel_loop3A_278] {strides = array<i32>} : memref<22528xf32, #tpu.memory_space<vmem>>, vector<16xf32>,
        tpu.vector_store %arg15[%parallel_loop3A_278], %parallel_loop3A_189 {strides = array<i32>} : memref<22528xf32, #tpu.memory_space<vmem>>, vector<16xf32>,
        %parallel_loop3A_280 = arith.constant 16 : i32
        %parallel_loop3A_281 = arith.addi %parallel_loop3A_132, %parallel_loop3A_280 : i32
        %parallel_loop3A_282 = arith.constant 64 : i32
        %parallel_loop3A_283 = arith.addi %parallel_loop3A_281, %parallel_loop3A_282 : i32
        %parallel_loop3A_284 = arith.index_cast %parallel_loop3A_283 : i32 to index
        %parallel_loop3A_285 = tpu.vector_load %arg15[%parallel_loop3A_284] {strides = array<i32>} : memref<22528xf32, #tpu.memory_space<vmem>>, vector<16xf32>,
        tpu.vector_store %arg15[%parallel_loop3A_284], %parallel_loop3A_200 {strides = array<i32>} : memref<22528xf32, #tpu.memory_space<vmem>>, vector<16xf32>,
        %parallel_loop3A_286 = arith.constant 16 : i32
        %parallel_loop3A_287 = arith.addi %parallel_loop3A_132, %parallel_loop3A_286 : i32
        %parallel_loop3A_288 = arith.constant 80 : i32
        %parallel_loop3A_289 = arith.addi %parallel_loop3A_287, %parallel_loop3A_288 : i32
        %parallel_loop3A_290 = arith.index_cast %parallel_loop3A_289 : i32 to index
        %parallel_loop3A_291 = tpu.vector_load %arg15[%parallel_loop3A_290] {strides = array<i32>} : memref<22528xf32, #tpu.memory_space<vmem>>, vector<16xf32>,
        tpu.vector_store %arg15[%parallel_loop3A_290], %parallel_loop3A_211 {strides = array<i32>} : memref<22528xf32, #tpu.memory_space<vmem>>, vector<16xf32>,
        %parallel_loop3A_292 = arith.constant 16 : i32
        %parallel_loop3A_293 = arith.addi %parallel_loop3A_132, %parallel_loop3A_292 : i32
        %parallel_loop3A_294 = arith.constant 96 : i32
        %parallel_loop3A_295 = arith.addi %parallel_loop3A_293, %parallel_loop3A_294 : i32
        %parallel_loop3A_296 = arith.index_cast %parallel_loop3A_295 : i32 to index
        %parallel_loop3A_297 = tpu.vector_load %arg15[%parallel_loop3A_296] {strides = array<i32>} : memref<22528xf32, #tpu.memory_space<vmem>>, vector<16xf32>,
        tpu.vector_store %arg15[%parallel_loop3A_296], %parallel_loop3A_222 {strides = array<i32>} : memref<22528xf32, #tpu.memory_space<vmem>>, vector<16xf32>,
        %parallel_loop3A_298 = arith.constant 16 : i32
        %parallel_loop3A_299 = arith.addi %parallel_loop3A_132, %parallel_loop3A_298 : i32
        %parallel_loop3A_300 = arith.constant 112 : i32
        %parallel_loop3A_301 = arith.addi %parallel_loop3A_299, %parallel_loop3A_300 : i32
        %parallel_loop3A_302 = arith.index_cast %parallel_loop3A_301 : i32 to index
        %parallel_loop3A_303 = tpu.vector_load %arg15[%parallel_loop3A_302] {strides = array<i32>} : memref<22528xf32, #tpu.memory_space<vmem>>, vector<16xf32>,
        tpu.vector_store %arg15[%parallel_loop3A_302], %parallel_loop3A_233 {strides = array<i32>} : memref<22528xf32, #tpu.memory_space<vmem>>, vector<16xf32>,
        %parallel_loop3A_304 = arith.constant 16 : i32
        %parallel_loop3A_305 = arith.addi %parallel_loop3A_132, %parallel_loop3A_304 : i32
        %parallel_loop3A_306 = arith.constant 128 : i32
        %parallel_loop3A_307 = arith.addi %parallel_loop3A_305, %parallel_loop3A_306 : i32
        %parallel_loop3A_308 = arith.index_cast %parallel_loop3A_307 : i32 to index
        %parallel_loop3A_309 = tpu.vector_load %arg15[%parallel_loop3A_308] {strides = array<i32>} : memref<22528xf32, #tpu.memory_space<vmem>>, vector<16xf32>,
        tpu.vector_store %arg15[%parallel_loop3A_308], %parallel_loop3A_244 {strides = array<i32>} : memref<22528xf32, #tpu.memory_space<vmem>>, vector<16xf32>,
        %parallel_loop3A_310 = arith.constant 16 : i32
        %parallel_loop3A_311 = arith.addi %parallel_loop3A_132, %parallel_loop3A_310 : i32
        %parallel_loop3A_312 = arith.constant 144 : i32
        %parallel_loop3A_313 = arith.addi %parallel_loop3A_311, %parallel_loop3A_312 : i32
        %parallel_loop3A_314 = arith.index_cast %parallel_loop3A_313 : i32 to index
        %parallel_loop3A_315 = tpu.vector_load %arg15[%parallel_loop3A_314] {strides = array<i32>} : memref<22528xf32, #tpu.memory_space<vmem>>, vector<16xf32>,
        tpu.vector_store %arg15[%parallel_loop3A_314], %parallel_loop3A_255 {strides = array<i32>} : memref<22528xf32, #tpu.memory_space<vmem>>, vector<16xf32>,
      } {sc.loop_unroll_factor = 2 : i64, sc.parallel_access}
      %parallel_loop3A_106 = arith.constant 0 : i32
      %parallel_loop3A_107 = arith.constant 8 : i32
      %parallel_loop3A_108 = arith.constant 1 : i32
      scf.for %parallel_loop3A_130 = %parallel_loop3A_106 to %parallel_loop3A_107 step %parallel_loop3A_108  : i32 {
        %parallel_loop3A_131 = arith.constant 16 : i32
        %parallel_loop3A_132 = arith.muli %parallel_loop3A_130, %parallel_loop3A_131 : i32
        %parallel_loop3A_133 = vector.broadcast %parallel_loop3A_132 : i32 to vector<16xi32>
        %parallel_loop3A_134 = arith.addi %parallel_loop3A_133, %iota3A : vector<16xi32>
        %parallel_loop3A_135 = arith.constant 176 : i32
        %parallel_loop3A_136 = vector.broadcast %parallel_loop3A_135 : i32 to vector<16xi32>
        %parallel_loop3A_137 = arith.muli %parallel_loop3A_134, %parallel_loop3A_136 : vector<16xi32>
        %parallel_loop3A_138 = arith.constant 16 : i32
        %parallel_loop3A_139 = arith.muli %parallel_loop3A_130, %parallel_loop3A_138 : i32
        %parallel_loop3A_140 = arith.index_cast %parallel_loop3A_139 : i32 to index
        %parallel_loop3A_141 = tpu.vector_load %arg11[%parallel_loop3A_140] {strides = array<i32>} : memref<128xi32, #tpu.memory_space<vmem>>, vector<16xi32>,
        %parallel_loop3A_142 = arith.constant 0 : i32
        %parallel_loop3A_143 = vector.broadcast %parallel_loop3A_142 : i32 to vector<16xi32>
        %parallel_loop3A_144 = arith.cmpi eq, %parallel_loop3A_141, %parallel_loop3A_143 : vector<16xi32>
        %parallel_loop3A_145 = arith.constant 0 : i32
        %parallel_loop3A_146 = vector.broadcast %parallel_loop3A_145 : i32 to vector<16xi32>
        %parallel_loop3A_147 = arith.addi %parallel_loop3A_137, %parallel_loop3A_146 : vector<16xi32>
        tpu.vector_store_idx %arg15[%parallel_loop3A_147], %broadcast_in_dim3A_7 masked %parallel_loop3A_144 : memref<22528xf32, #tpu.memory_space<vmem>>[vector<16xi32>], vector<16xf32>, vector<16xi1>
        %parallel_loop3A_148 = arith.constant 1 : i32
        %parallel_loop3A_149 = vector.broadcast %parallel_loop3A_148 : i32 to vector<16xi32>
        %parallel_loop3A_150 = arith.addi %parallel_loop3A_137, %parallel_loop3A_149 : vector<16xi32>
        tpu.vector_store_idx %arg15[%parallel_loop3A_150], %broadcast_in_dim3A_7 masked %parallel_loop3A_144 : memref<22528xf32, #tpu.memory_space<vmem>>[vector<16xi32>], vector<16xf32>, vector<16xi1>
        %parallel_loop3A_151 = arith.constant 2 : i32
        %parallel_loop3A_152 = vector.broadcast %parallel_loop3A_151 : i32 to vector<16xi32>
        %parallel_loop3A_153 = arith.addi %parallel_loop3A_137, %parallel_loop3A_152 : vector<16xi32>
        tpu.vector_store_idx %arg15[%parallel_loop3A_153], %broadcast_in_dim3A_7 masked %parallel_loop3A_144 : memref<22528xf32, #tpu.memory_space<vmem>>[vector<16xi32>], vector<16xf32>, vector<16xi1>
        %parallel_loop3A_154 = arith.constant 3 : i32
        %parallel_loop3A_155 = vector.broadcast %parallel_loop3A_154 : i32 to vector<16xi32>
        %parallel_loop3A_156 = arith.addi %parallel_loop3A_137, %parallel_loop3A_155 : vector<16xi32>
        tpu.vector_store_idx %arg15[%parallel_loop3A_156], %broadcast_in_dim3A_7 masked %parallel_loop3A_144 : memref<22528xf32, #tpu.memory_space<vmem>>[vector<16xi32>], vector<16xf32>, vector<16xi1>
        %parallel_loop3A_157 = arith.constant 4 : i32
        %parallel_loop3A_158 = vector.broadcast %parallel_loop3A_157 : i32 to vector<16xi32>
        %parallel_loop3A_159 = arith.addi %parallel_loop3A_137, %parallel_loop3A_158 : vector<16xi32>
        tpu.vector_store_idx %arg15[%parallel_loop3A_159], %broadcast_in_dim3A_7 masked %parallel_loop3A_144 : memref<22528xf32, #tpu.memory_space<vmem>>[vector<16xi32>], vector<16xf32>, vector<16xi1>
        %parallel_loop3A_160 = arith.constant 5 : i32
        %parallel_loop3A_161 = vector.broadcast %parallel_loop3A_160 : i32 to vector<16xi32>
        %parallel_loop3A_162 = arith.addi %parallel_loop3A_137, %parallel_loop3A_161 : vector<16xi32>
        tpu.vector_store_idx %arg15[%parallel_loop3A_162], %broadcast_in_dim3A_7 masked %parallel_loop3A_144 : memref<22528xf32, #tpu.memory_space<vmem>>[vector<16xi32>], vector<16xf32>, vector<16xi1>
        %parallel_loop3A_163 = arith.constant 6 : i32
        %parallel_loop3A_164 = vector.broadcast %parallel_loop3A_163 : i32 to vector<16xi32>
        %parallel_loop3A_165 = arith.addi %parallel_loop3A_137, %parallel_loop3A_164 : vector<16xi32>
        tpu.vector_store_idx %arg15[%parallel_loop3A_165], %broadcast_in_dim3A_7 masked %parallel_loop3A_144 : memref<22528xf32, #tpu.memory_space<vmem>>[vector<16xi32>], vector<16xf32>, vector<16xi1>
        %parallel_loop3A_166 = arith.constant 7 : i32
        %parallel_loop3A_167 = vector.broadcast %parallel_loop3A_166 : i32 to vector<16xi32>
        %parallel_loop3A_168 = arith.addi %parallel_loop3A_137, %parallel_loop3A_167 : vector<16xi32>
        tpu.vector_store_idx %arg15[%parallel_loop3A_168], %broadcast_in_dim3A_7 masked %parallel_loop3A_144 : memref<22528xf32, #tpu.memory_space<vmem>>[vector<16xi32>], vector<16xf32>, vector<16xi1>
        %parallel_loop3A_169 = arith.constant 8 : i32
        %parallel_loop3A_170 = vector.broadcast %parallel_loop3A_169 : i32 to vector<16xi32>
        %parallel_loop3A_171 = arith.addi %parallel_loop3A_137, %parallel_loop3A_170 : vector<16xi32>
        tpu.vector_store_idx %arg15[%parallel_loop3A_171], %broadcast_in_dim3A_7 masked %parallel_loop3A_144 : memref<22528xf32, #tpu.memory_space<vmem>>[vector<16xi32>], vector<16xf32>, vector<16xi1>
        %parallel_loop3A_172 = arith.constant 9 : i32
        %parallel_loop3A_173 = vector.broadcast %parallel_loop3A_172 : i32 to vector<16xi32>
        %parallel_loop3A_174 = arith.addi %parallel_loop3A_137, %parallel_loop3A_173 : vector<16xi32>
        tpu.vector_store_idx %arg15[%parallel_loop3A_174], %broadcast_in_dim3A_7 masked %parallel_loop3A_144 : memref<22528xf32, #tpu.memory_space<vmem>>[vector<16xi32>], vector<16xf32>, vector<16xi1>
        %parallel_loop3A_175 = arith.constant 10 : i32
        %parallel_loop3A_176 = vector.broadcast %parallel_loop3A_175 : i32 to vector<16xi32>
        %parallel_loop3A_177 = arith.addi %parallel_loop3A_137, %parallel_loop3A_176 : vector<16xi32>
        tpu.vector_store_idx %arg15[%parallel_loop3A_177], %broadcast_in_dim3A_7 masked %parallel_loop3A_144 : memref<22528xf32, #tpu.memory_space<vmem>>[vector<16xi32>], vector<16xf32>, vector<16xi1>
        %parallel_loop3A_178 = arith.constant 11 : i32
        %parallel_loop3A_179 = vector.broadcast %parallel_loop3A_178 : i32 to vector<16xi32>
        %parallel_loop3A_180 = arith.addi %parallel_loop3A_137, %parallel_loop3A_179 : vector<16xi32>
        tpu.vector_store_idx %arg15[%parallel_loop3A_180], %broadcast_in_dim3A_7 masked %parallel_loop3A_144 : memref<22528xf32, #tpu.memory_space<vmem>>[vector<16xi32>], vector<16xf32>, vector<16xi1>
        %parallel_loop3A_181 = arith.constant 12 : i32
        %parallel_loop3A_182 = vector.broadcast %parallel_loop3A_181 : i32 to vector<16xi32>
        %parallel_loop3A_183 = arith.addi %parallel_loop3A_137, %parallel_loop3A_182 : vector<16xi32>
        tpu.vector_store_idx %arg15[%parallel_loop3A_183], %broadcast_in_dim3A_7 masked %parallel_loop3A_144 : memref<22528xf32, #tpu.memory_space<vmem>>[vector<16xi32>], vector<16xf32>, vector<16xi1>
        %parallel_loop3A_184 = arith.constant 13 : i32
        %parallel_loop3A_185 = vector.broadcast %parallel_loop3A_184 : i32 to vector<16xi32>
        %parallel_loop3A_186 = arith.addi %parallel_loop3A_137, %parallel_loop3A_185 : vector<16xi32>
        tpu.vector_store_idx %arg15[%parallel_loop3A_186], %broadcast_in_dim3A_7 masked %parallel_loop3A_144 : memref<22528xf32, #tpu.memory_space<vmem>>[vector<16xi32>], vector<16xf32>, vector<16xi1>
        %parallel_loop3A_187 = arith.constant 14 : i32
        %parallel_loop3A_188 = vector.broadcast %parallel_loop3A_187 : i32 to vector<16xi32>
        %parallel_loop3A_189 = arith.addi %parallel_loop3A_137, %parallel_loop3A_188 : vector<16xi32>
        tpu.vector_store_idx %arg15[%parallel_loop3A_189], %broadcast_in_dim3A_7 masked %parallel_loop3A_144 : memref<22528xf32, #tpu.memory_space<vmem>>[vector<16xi32>], vector<16xf32>, vector<16xi1>
        %parallel_loop3A_190 = arith.constant 15 : i32
        %parallel_loop3A_191 = vector.broadcast %parallel_loop3A_190 : i32 to vector<16xi32>
        %parallel_loop3A_192 = arith.addi %parallel_loop3A_137, %parallel_loop3A_191 : vector<16xi32>
        tpu.vector_store_idx %arg15[%parallel_loop3A_192], %broadcast_in_dim3A_7 masked %parallel_loop3A_144 : memref<22528xf32, #tpu.memory_space<vmem>>[vector<16xi32>], vector<16xf32>, vector<16xi1>
      } {sc.loop_unroll_factor = 1 : i64, sc.parallel_access}
      %mul3A_109 = arith.constant 128 : i32
      %mul3A_110 = arith.muli %add3A_94, %mul3A_109 : i32
      %add3A_111 = arith.addi %mul3A_2, %mul3A_110 : i32
      %mul3A_112 = arith.constant 176 : i32
      %mul3A_113 = arith.muli %add3A_111, %mul3A_112 : i32
      %dma_start3A_114 = tpu.memref_slice %arg6[%mul3A_113] : memref<36044800xf32, #tpu.memory_space<hbm>> -> memref<22528xf32, #tpu.memory_space<hbm>>
      %dma_start3A_115 = tpu.memref_slice %arg6[%mul3A_113] : memref<36044800xf32, #tpu.memory_space<hbm>> -> memref<22528xf32, #tpu.memory_space<hbm>>
      tpu.enqueue_dma source(%arg15 : memref<22528xf32, #tpu.memory_space<vmem>>) target(%dma_start3A_115 : memref<22528xf32, #tpu.memory_space<hbm>>) target_semaphore(%arg22 : memref<!tpu.dma_semaphore, #tpu.memory_space<semaphore_mem>>)
      %add3A_116 = arith.constant 1 : i32
      %add3A_117 = arith.addi %add3A_94, %add3A_116 : i32
      %lt3A_118 = arith.constant 50 : i32
      %lt3A_119 = arith.cmpi slt, %add3A_117, %lt3A_118 : i32
      %convert_element_type3A_120 = arith.extui %lt3A_119 : i1 to i32
      %cond3A_121 = arith.constant 0 : i32
      %cond3A_122 = arith.cmpi ne, %convert_element_type3A_120, %cond3A_121 : i32
      scf.if %cond3A_122 {
        %dma_wait3A_130 = arith.constant 0 : i32
        %dma_wait3A_131 = tpu.memref_slice %arg2[%dma_wait3A_130] : memref<4096000xi32, #tpu.memory_space<hbm>> -> memref<2560xi32, #tpu.memory_space<hbm>>
        %dma_wait3A_132 = arith.constant 0 : i32
        %dma_wait3A_133 = tpu.memref_slice %arg2[%dma_wait3A_132] : memref<4096000xi32, #tpu.memory_space<hbm>> -> memref<2560xi32, #tpu.memory_space<hbm>>
        tpu.wait_dma2 semaphore(%arg17 : memref<!tpu.dma_semaphore, #tpu.memory_space<semaphore_mem>>) src(%dma_wait3A_133 : memref<2560xi32, #tpu.memory_space<hbm>>) dst(%arg8 : memref<2560xi32, #tpu.memory_space<vmem>>)
        %dma_wait3A_134 = arith.constant 0 : i32
        %dma_wait3A_135 = tpu.memref_slice %arg3[%dma_wait3A_134] : memref<204800xi32, #tpu.memory_space<hbm>> -> memref<128xi32, #tpu.memory_space<hbm>>
        %dma_wait3A_136 = arith.constant 0 : i32
        %dma_wait3A_137 = tpu.memref_slice %arg3[%dma_wait3A_136] : memref<204800xi32, #tpu.memory_space<hbm>> -> memref<128xi32, #tpu.memory_space<hbm>>
        tpu.wait_dma2 semaphore(%arg17 : memref<!tpu.dma_semaphore, #tpu.memory_space<semaphore_mem>>) src(%dma_wait3A_137 : memref<128xi32, #tpu.memory_space<hbm>>) dst(%arg10 : memref<128xi32, #tpu.memory_space<vmem>>)
        %dma_start3A_138 = arith.constant 0 : i32
        %dma_start3A_139 = arith.constant 0 : i32
        %dma_start3A_140 = tpu.memref_slice %arg5[%dma_start3A_138, %dma_start3A_139] : memref<100001x16xf32, #tpu.memory_space<hbm>> -> memref<100001x16xf32, #tpu.memory_space<hbm>>
        tpu.enqueue_indirect_dma source(%dma_start3A_140 : memref<100001x16xf32, #tpu.memory_space<hbm>>) target(%arg12 : memref<128x16xf32, #tpu.memory_space<vmem>>) offsets(%arg10 : memref<128xi32, #tpu.memory_space<vmem>>) semaphore(%arg19 : memref<!tpu.dma_semaphore, #tpu.memory_space<semaphore_mem>>)
      } else {
      }
      %add3A_123 = arith.constant 2 : i32
      %add3A_124 = arith.addi %add3A_94, %add3A_123 : i32
      %lt3A_125 = arith.constant 50 : i32
      %lt3A_126 = arith.cmpi slt, %add3A_124, %lt3A_125 : i32
      %convert_element_type3A_127 = arith.extui %lt3A_126 : i1 to i32
      %cond3A_128 = arith.constant 0 : i32
      %cond3A_129 = arith.cmpi ne, %convert_element_type3A_127, %cond3A_128 : i32
      scf.if %cond3A_129 {
        %add3A_130 = arith.constant 2 : i32
        %add3A_131 = arith.addi %add3A_94, %add3A_130 : i32
        %mul3A_132 = arith.constant 128 : i32
        %mul3A_133 = arith.muli %add3A_131, %mul3A_132 : i32
        %add3A_134 = arith.addi %mul3A_2, %mul3A_133 : i32
        %mul3A_135 = arith.constant 20 : i32
        %mul3A_136 = arith.muli %add3A_134, %mul3A_135 : i32
        %dma_start3A_137 = tpu.memref_slice %arg2[%mul3A_136] : memref<4096000xi32, #tpu.memory_space<hbm>> -> memref<2560xi32, #tpu.memory_space<hbm>>
        %dma_start3A_138 = tpu.memref_slice %arg2[%mul3A_136] : memref<4096000xi32, #tpu.memory_space<hbm>> -> memref<2560xi32, #tpu.memory_space<hbm>>
        tpu.enqueue_dma source(%dma_start3A_138 : memref<2560xi32, #tpu.memory_space<hbm>>) target(%arg9 : memref<2560xi32, #tpu.memory_space<vmem>>) target_semaphore(%arg18 : memref<!tpu.dma_semaphore, #tpu.memory_space<semaphore_mem>>)
        %dma_start3A_139 = tpu.memref_slice %arg3[%add3A_134] : memref<204800xi32, #tpu.memory_space<hbm>> -> memref<128xi32, #tpu.memory_space<hbm>>
        %dma_start3A_140 = tpu.memref_slice %arg3[%add3A_134] : memref<204800xi32, #tpu.memory_space<hbm>> -> memref<128xi32, #tpu.memory_space<hbm>>
        tpu.enqueue_dma source(%dma_start3A_140 : memref<128xi32, #tpu.memory_space<hbm>>) target(%arg11 : memref<128xi32, #tpu.memory_space<vmem>>) target_semaphore(%arg18 : memref<!tpu.dma_semaphore, #tpu.memory_space<semaphore_mem>>)
      } else {
      }
    }
    %scan3A_42 = arith.constant 25 : i32
    %add3A_43 = arith.constant 6144 : i32
    %add3A_44 = arith.addi %mul3A_2, %add3A_43 : i32
    %mul3A_45 = arith.constant 176 : i32
    %mul3A_46 = arith.muli %add3A_44, %mul3A_45 : i32
    %dma_wait3A_47 = tpu.memref_slice %arg6[%mul3A_46] : memref<36044800xf32, #tpu.memory_space<hbm>> -> memref<22528xf32, #tpu.memory_space<hbm>>
    %dma_wait3A_48 = tpu.memref_slice %arg6[%mul3A_46] : memref<36044800xf32, #tpu.memory_space<hbm>> -> memref<22528xf32, #tpu.memory_space<hbm>>
    tpu.wait_dma2 semaphore(%arg21 : memref<!tpu.dma_semaphore, #tpu.memory_space<semaphore_mem>>) src(%arg14 : memref<22528xf32, #tpu.memory_space<vmem>>) dst(%dma_wait3A_48 : memref<22528xf32, #tpu.memory_space<hbm>>)
    %add3A_49 = arith.constant 6272 : i32
    %add3A_50 = arith.addi %mul3A_2, %add3A_49 : i32
    %mul3A_51 = arith.constant 176 : i32
    %mul3A_52 = arith.muli %add3A_50, %mul3A_51 : i32
    %dma_wait3A_53 = tpu.memref_slice %arg6[%mul3A_52] : memref<36044800xf32, #tpu.memory_space<hbm>> -> memref<22528xf32, #tpu.memory_space<hbm>>
    %dma_wait3A_54 = tpu.memref_slice %arg6[%mul3A_52] : memref<36044800xf32, #tpu.memory_space<hbm>> -> memref<22528xf32, #tpu.memory_space<hbm>>
    tpu.wait_dma2 semaphore(%arg22 : memref<!tpu.dma_semaphore, #tpu.memory_space<semaphore_mem>>) src(%arg15 : memref<22528xf32, #tpu.memory_space<vmem>>) dst(%dma_wait3A_54 : memref<22528xf32, #tpu.memory_space<hbm>>)
    return
  }
}

</mosaic_0001>

<sc_bundles>
// kernel: kernel.3.cloned.1.call-start
scs
__scs_entry_jumppad:
0x0: {  	(pc) =	sbr.rel $0x88, $3  }
0x1: {  	(tag) =	ssettag $0x0;
	lr =	simm.s32 $0x1  }
0x2: {  	[smem:$0x3F9D] =	sst lr;
	_ =	strace $0xD0000000  }
0x3: {  	_ = 	snop  }
0x4: {  	_ = 	snop  }
0x5: {  	_ = 	snop  }
0x6: {  	_ = 	snop  }
0x7: {  	_ = 	snop  }
__scs_overlays_trampoline_lowered:
0x8: {  	[smem:$0x3FAC] =	sst s0  }
0x9: {  	[smem:$0x3FAD] =	sst s1  }
0xa: {  	[smem:$0x3FAE] =	sst s2  }
0xb: {  	[smem:$0x3FAF] =	sst s3  }
0xc: {  	[smem:$0x3FB0] =	sst s4  }
0xd: {  	[smem:$0x3FB1] =	sst s5  }
0xe: {  	[smem:$0x3FB2] =	sst s6  }
0xf: {  	[smem:$0x3FB3] =	sst s7  }
0x10: {  	[smem:$0x3FB4] =	sst s8  }
0x11: {  	[smem:$0x3FB5] =	sst s9;
	s0 =	simm.s32 @!p0 $0x0  }
0x12: {  	s1 =	sld [smem:$0x3F9B];
	s0 =	simm.s32 @p0 $0x1  }
0x13: {  	[smem:$0x3FB6] =	sst s0;
	s0 =	simm.s32 @!p1 $0x0  }
0x14: {  	s2 =	sld [smem:$0x3F9A];
	s0 =	simm.s32 @p1 $0x1  }
0x15: {  	[smem:$0x3FB7] =	sst s0;
	s0 =	simm.s32 @!p2 $0x0  }
0x16: {  	s3 =	sld [smem:$0x3FDB];
	s0 =	simm.s32 @p2 $0x1  }
0x17: {  	s4 =	simm.s32 $0x1BF5;
	[smem:$0x3FB9] =	sst s0  }
0x18: {  	s0 =	sld [smem:$0x3F9C];
	_ =	swait.ge [sflag:s4], $0x0  }
0x19: {  	s7 =	sld [smem:$0x3F9D]  }
0x1a: {  	s8 =	sadd.s32 $0xFFFFE003, lr  }
0x1b: {  	s9 =	sadd.s32 $0xFFFFFEF7, lr;
	s5 =	simm.s32 $0xFFFFFFFF;
	p2 =	slt.u32 s8, $0xFFFFF086  }
0x1c: {  	p1 =	slt.u32 s9, $0xF7A;
	s5 =	simm.s32 @!p2 $0x0  }
0x1d: {  	s5 =	simm.s32 @p1 $0x1;
	p0 =	seq.s32 s7, s2  }
0x1e: {  	s7 =	smul.u32 @!p0 $0xF7A, s2;
	p2 =	seq.s32 @!p0 s5, $0x0  }
0x1f: {  	s9 =	smul.u32 $0xF7A, s1;
	s8 =	simm.s32 @!p0 $0x1BF5;
	p2 =	por !p2, p0  }
0x20: {  	[sflag:s8] =	ssyncset.s32 @!p0 $0xFFFFF086;
	s6 =	sadd.s32 @!p0 s3, s7;
	s7 =	simm.s32 @!p0 $0x108  }
0x21: {  	s3 =	sadd.s32 s3, s9;
	s6 =	sadd.s32 @!p0 $0x88, s6;
	s7 =	simm.s32 @p2 $0x1082  }
0x22: {  	[simem:s7], [sflag:s8] =	dma.local @!p0 [hbm:s6], $0xF7A  }
0x23: {  	s9 =	sor.u32 $0xD0000000, s2;
	s6 =	simm.s32 $0x108;
	_ =	swait.ge @!p0 [sflag:s8], $0x0  }
0x24: {  	s3 =	sadd.s32 $0x88, s3;
	s6 =	simm.s32 @!p1 $0x1082;
	[sflag:s4] =	ssyncset.s32 $0xFFFFF086  }
0x25: {  	[simem:s6], [sflag:s4] =	dma.local [hbm:s3], $0xF7A  }
0x26: {  	[smem:$0x3F9D] =	sst s1;
	(tag) =	ssettag s2;
	_ =	strace s9  }
0x27: {  	s1 =	sld [smem:$0x3FAD]  }
0x28: {  	s2 =	sld [smem:$0x3FAE]  }
0x29: {  	s4 =	sld [smem:$0x3FB0]  }
0x2a: {  	p0 =	seq.s32 s5, $0x0;
	s5 =	sld [smem:$0x3FB1]  }
0x2b: {  	s6 =	sld [smem:$0x3FB2]  }
0x2c: {  	s7 =	sld [smem:$0x3FB3]  }
0x2d: {  	s3 =	simm.s32 $0x108;
	s8 =	sld [smem:$0x3FB4]  }
0x2e: {  	s3 =	simm.s32 @!p0 $0x1082;
	s9 =	sld [smem:$0x3FB5]  }
0x2f: {  	lr =	sadd.s32 s0, s3;
	s0 =	sld [smem:$0x3FAC]  }
0x30: {  	s3 =	sld [smem:$0x3FAF]  }
0x31: {  	[smem:$0x3FB8] =	sst s10  }
0x32: {  	s10 =	sld [smem:$0x3FB6];
	_ =	sdelay $0x3  }
0x33: {  	p0 =	seq.s32 s10, $0x1;
	s10 =	sld [smem:$0x3FB8];
	_ =	sdelay $0x3  }
0x34: {  	[smem:$0x3FB8] =	sst s10  }
0x35: {  	s10 =	sld [smem:$0x3FB7];
	_ =	sdelay $0x3  }
0x36: {  	p1 =	seq.s32 s10, $0x1;
	s10 =	sld [smem:$0x3FB8];
	_ =	sdelay $0x3  }
0x37: {  	[smem:$0x3FB8] =	sst s10  }
0x38: {  	s10 =	sld [smem:$0x3FB9]  }
0x39: {  	_ = 	snop;
	(pc) =	sbr.ind lr, $3  }
0x3a: {  	_ = 	snop  }
0x3b: {  	_ = 	snop  }
0x3c: {  	p2 =	seq.s32 s10, $0x1;
	s10 =	sld [smem:$0x3FB8]  }
0x3d: {  	_ =	shalt  }
0x3e: {  	_ =	shalt  }
0x3f: {  	_ =	shalt  }
0x40: {  	_ =	shalt  }
0x41: {  	_ =	shalt  }
0x42: {  	_ =	shalt  }
0x43: {  	_ =	shalt  }
0x44: {  	_ =	shalt  }
0x45: {  	_ =	shalt  }
0x46: {  	_ =	shalt  }
0x47: {  	_ =	shalt  }
0x48: {  	_ =	shalt  }
0x49: {  	_ =	shalt  }
0x4a: {  	_ =	shalt  }
0x4b: {  	_ =	shalt  }
0x4c: {  	_ =	shalt  }
0x4d: {  	_ =	shalt  }
0x4e: {  	_ =	shalt  }
0x4f: {  	_ =	shalt  }
0x50: {  	_ =	shalt  }
0x51: {  	_ =	shalt  }
0x52: {  	_ =	shalt  }
0x53: {  	_ =	shalt  }
0x54: {  	_ =	shalt  }
0x55: {  	_ =	shalt  }
0x56: {  	_ =	shalt  }
0x57: {  	_ =	shalt  }
0x58: {  	_ =	shalt  }
0x59: {  	_ =	shalt  }
0x5a: {  	_ =	shalt  }
0x5b: {  	_ =	shalt  }
0x5c: {  	_ =	shalt  }
0x5d: {  	_ =	shalt  }
0x5e: {  	_ =	shalt  }
0x5f: {  	_ =	shalt  }
0x60: {  	_ =	shalt  }
0x61: {  	_ =	shalt  }
0x62: {  	_ =	shalt  }
0x63: {  	_ =	shalt  }
0x64: {  	_ =	shalt  }
0x65: {  	_ =	shalt  }
0x66: {  	_ =	shalt  }
0x67: {  	_ =	shalt  }
0x68: {  	_ =	shalt  }
0x69: {  	_ =	shalt  }
0x6a: {  	_ =	shalt  }
0x6b: {  	_ =	shalt  }
0x6c: {  	_ =	shalt  }
0x6d: {  	_ =	shalt  }
0x6e: {  	_ =	shalt  }
0x6f: {  	_ =	shalt  }
0x70: {  	_ =	shalt  }
0x71: {  	_ =	shalt  }
0x72: {  	_ =	shalt  }
0x73: {  	_ =	shalt  }
0x74: {  	_ =	shalt  }
0x75: {  	_ =	shalt  }
0x76: {  	_ =	shalt  }
0x77: {  	_ =	shalt  }
0x78: {  	_ =	shalt  }
0x79: {  	_ =	shalt  }
0x7a: {  	_ =	shalt  }
0x7b: {  	_ =	shalt  }
0x7c: {  	_ =	shalt  }
0x7d: {  	_ =	shalt  }
0x7e: {  	_ =	shalt  }
0x7f: {  	_ =	shalt  }
0x80: {  	_ =	shalt  }
0x81: {  	_ =	shalt  }
0x82: {  	_ =	shalt  }
0x83: {  	_ =	shalt  }
0x84: {  	_ =	shalt  }
0x85: {  	_ =	shalt  }
0x86: {  	_ =	shalt  }
0x87: {  	_ =	shalt  }
.Lfunc_end0:
.L_simem_size_0:
called_computation.1_lowered:
.L_overlay_start_0:
0x88: {  	s2 =	sld [smem:$0x3FD9]  }
0x89: {  	s3 =	sld [smem:$0x3FFE];
	_ =	sdelay $0x1  }
0x8a: {  	s1 =	srdreg.scid  }
0x8b: {  	s0 =	sand.u32 $0x1, s1  }
0x8c: {  	s17 =	sshll.u32 s0, $0xA;
	s2 =	sadd.s32 s3, s2  }
0x8d: {  	s2 =	sadd.s32 s2, s17  }
0x8e: {  	[smem:$0x3FC4] =	sst s2  }
0x8f: {  	_ = 	snop  }
0x90: {  	s2 =	sld [smem:$0x3FD0];
	(tm) =	ssettm $0x1  }
0x91: {  	s18 =	sld [smem:$0x3FFB];
	_ =	sdelay $0x3  }
0x92: {  	_ =	strace s18  }
0x93: {  	s3 =	sld [smem:$0x3FFC];
	_ =	sdelay $0x3  }
0x94: {  	_ =	strace s3  }
0x95: {  	s3 =	sld [smem:$0x3FFD];
	_ =	sdelay $0x3  }
0x96: {  	_ =	strace s3  }
0x97: {  	_ =	strace $0x8FFFFFFF  }
0x98: {  	s19 =	sld [smem:$0x3FDB];
	_ =	sdelay $0x1  }
0x99: {  	s4 =	simm.s32 $_scs_section_size  }
0x9a: {  	s5 =	simm.s32 $_size__tile_overlayer_lowered;
	s6 =	simm.s32 $_tile_overlayer_lowered  }
0x9b: {  	s22 =	simm.s32 $0x1BFF;
	s21 =	sshll.u32 s6, $0x1;
	s3 =	sadd.s32 s4, s19  }
0x9c: {  	s7 =	simm.s32 $0x0;
	s20 =	sshll.u32 s5, $0x1;
	s5 =	sadd.s32 s21, s3  }
0x9d: {  	[timem:s7], [sflag:s22] =	dma.local [hbm:s5], s20  }
0x9e: {  	_ =	swait.ge [sflag:s22], s20  }
0x9f: {  	s4 =	ssub.s32 $0x0, s20;
	[sflag:s22] =	ssyncset.done $0x0  }
0xa0: {  	[sflag:s22] =	ssyncadd.s32 s4;
	_ =	sdelay $0x1  }
0xa1: {  	s23 =	simm.s32 $0x1B8B  }
0xa2: {  	_ =	swait.ge [sflag:s23], $0x1  }
0xa3: {  	[sflag:s23] =	ssyncset.done $0x0  }
0xa4: {  	s25 =	simm.s32 $0x1B8E;
	s24 =	sld [smem:$0x3FFE];
	[sflag:s23] =	ssyncadd.s32 $0xFFFFFFFF  }
0xa5: {  	s26 =	simm.s32 $execute0_lowered;
	[smem:$0x3FD2] =	sst s25  }
0xa6: {  	s5 =	sshll.u32 s26, $0x1;
	_ =	strace $0x80000046;
	[dreg:$0x1] =	wrdreg $0xFFFFFFFF  }
0xa7: {  	s28 =	simm.s32 $_size_execute0_lowered;
	s3 =	sadd.s32 s3, s5;
	[dreg:$0x0] =	wrdreg $0x0  }
0xa8: {  	s5 =	sshll.u32 s28, $0x1;
	[dreg:$0x2] =	wrdreg s3  }
0xa9: {  	[dreg:$0x3] =	wrdreg s5  }
0xaa: {  	[dreg:$0x4] =	wrdreg $0xC0  }
0xab: {  	_ =	task [dreg:s7], $0x5FFFF  }
0xac: {  	[dreg:$0x1] =	wrdreg $0xFFFFFFFF  }
0xad: {  	[dreg:$0x0] =	wrdreg $0x60  }
0xae: {  	[dreg:$0x2] =	wrdreg s24  }
0xaf: {  	[dreg:$0x3] =	wrdreg s2  }
0xb0: {  	[dreg:$0x4] =	wrdreg $0x9  }
0xb1: {  	_ =	task.clear_ibuf [dreg:s7], $0x5FFFF;
	_ =	strace $0x90000046  }
0xb2: {  	s29 =	simm.s32 $0x9;
	_ =	strace $0x80000048  }
0xb3: {  	_ =	swait.ge [sflag:s29], $0x1  }
0xb4: {  	[sflag:s29] =	ssyncadd.s32 $0xFFFFFFFF  }
0xb5: {  	_ =	strace $0x90000048  }
0xb6: {  	_ =	sfence  }
0xb7: {  	s30 =	sld [smem:$0x0];
	_ =	sdelay $0x2  }
0xb8: {  	s31 =	sshll.u32 s1, $0xD;
	s1 =	sshrl.u32 s1, $0x2  }
0xb9: {  	s3 =	sand.u32 $0x4000, s31;
	s1 =	sadd.s32 s1, s30  }
0xba: {  	s0 =	sor.u32 s3, s0;
	s1 =	sshll.u32 s1, $0x11  }
0xbb: {  	s0 =	sor.u32 s1, s0  }
0xbc: {  	s0 =	sadd.s32 $0x8F2B, s0  }
0xbd: {  	[sflag:s0] =	ssyncadd.remote.s32 $0x1  }
0xbe: {  	_ =	sfence.sel $0xFFFF  }
0xbf: {  	[dreg:$0x0] =	wrdreg $0xFFFFFFFF;
	(pc) =	sbr.abs _section_cstart, $3  }
0xc0: {  	[dreg:$0x1] =	wrdreg $0xFFFFFFFF  }
0xc1: {  	_ =	task.clear_ibuf [dreg:s7], $0x2FFFF;
	_ =	strace $0x9FFFFFFF  }
0xc2: {  	(tm) =	ssettm $0x7FFFFFFF  }
0xc3: {  	_ =	shalt  }
tec
execute0_lowered:
.L_overlay_start_1:
0x0: {  	(tag) =	ssettag $0x1  }
0x1: {  	s0 =	rddreg [dreg:$0x0];
	s1 =	srdreg.scid  }
0x2: {  	s3 =	stileid.u32;
	s2 =	rddreg [dreg:$0x1];
	s19 =	simm.s32 $0x1C08  }
0x3: {  	s28 =	simm.s32 $0x3;
	s29 =	simm.s32 $0x2508;
	s30 =	simm.s32 $0x5  }
0x4: {  	s31 =	simm.s32 $0x7;
	s1 =	sand.u32 $0x1, s1;
	s4 =	sshll.u32 s3, $0x1  }
0x5: {  	s3 =	simm.s32 $0x0;
	s5 =	sadd.s32 $0x39000, s0;
	s7 =	sadd.s32 $0x1E00, s0  }
0x6: {  	s9 =	sadd.s32 $0x1C00, s0;
	s6 =	sor.u32 s1, s4;
	[smem:$0x7FF] =	sst s3  }
0x7: {  	s1 =	ssub.s32 $0x2, s1;
	s4 =	smul.u32 $0x1900, s6;
	_ =	strace $0x80000047  }
0x8: {  	s8 =	smul.u32 $0x3E80, s6;
	s10 =	sshrl.u32 s1, $0x1;
	[dreg:$0x3] =	wrdreg s9  }
0x9: {  	v7 =	vlaneseq.u32;
	s9 =	sadd.s32 $0x8200, s0;
	s20 =	ssub.s32 s1, s10;
	s6 =	sor.u32 $0x80, s4  }
0xa: {  	vm0 =	vmmov $0xff;
	v10 =	vimm.f32 $0.0e+00;
	v0 =	vshrl.u32 v7, $0x3;
	s21 =	sadd.s32 s5, s8;
	s22 =	sshrl.u32 s4, $0x3;
	s26 =	sadd.s32 $0x100, s4  }
0xb: {  	v1 =	vand.u32 $0x7, v7;
	v7 =	vmul.u32 $0xB0, v7;
	v2 =	vor.u32 $0x2, v0;
	s15 =	sadd.s32 $0x180, s4;
	s0 =	smax.u32 s20, $0x1;
	s20 =	simm.s32 $0x2  }
0xc: {  	v3 =	vor.u32 $0x4, v0;
	v4 =	vor.u32 $0x6, v0;
	v5 =	vor.u32 $0x8, v0;
	s8 =	simm.s32 $0x0;
	s11 =	smul.u32 $0x14, s6;
	[dreg:$0x4] =	wrdreg s21  }
0xd: {  	v6 =	vor.u32 $0xA, v0;
	v8 =	vor.u32 $0xC, v0;
	v9 =	vor.u32 $0xE, v0;
	s1 =	sadd.s32 s7, s22;
	s25 =	sshrl.u32 s6, $0x3;
	[dreg:$0x8] =	wrdreg s26  }
.Ltmp0:
0xe: {  	v11 =	vor.u32 $0x1, v7;
	v12 =	vor.u32 $0x2, v7;
	v13 =	vor.u32 $0x3, v7;
	[dreg:$0x9] =	wrdreg s0;
	s21 =	simm.s32 $0x80;
	(pc) =	sbr.rel .LBB2_1-.Ltmp0, $4  }
0xf: {  	v14 =	vor.u32 $0x4, v7;
	v15 =	vor.u32 $0x5, v7;
	v16 =	vor.u32 $0x6, v7;
	s22 =	simm.s32 $0x1D08;
	s26 =	simm.s32 $0x2D08;
	[dreg:$0x5] =	wrdreg s1  }
0x10: {  	v17 =	vor.u32 $0x7, v7;
	v18 =	vor.u32 $0x8, v7;
	v19 =	vor.u32 $0x9, v7;
	s1 =	sadd.s32 s7, s25;
	s25 =	simm.s32 $0x4;
	s23 =	sshrl.u32 s11, $0x3  }
0x11: {  	v20 =	vor.u32 $0xA, v7;
	v21 =	vor.u32 $0xB, v7;
	v22 =	vor.u32 $0xC, v7;
	[dreg:$0x7] =	wrdreg s1;
	s1 =	simm.s32 $0x8508;
	s24 =	sadd.s32 s5, s23  }
0x12: {  	v23 =	vor.u32 $0xD, v7;
	v24 =	vor.u32 $0xE, v7;
	v25 =	vor.u32 $0xF, v7;
	s23 =	simm.s32 $0x1208;
	[dreg:$0x6] =	wrdreg s24;
	s24 =	simm.s32 $0x1C88  }
.LBB2_16:
0x13: {  	s0 =	simm.s32 $0x6  }
0x14: {  	_ =	swait.ge [sflag:s0], $0x5800  }
0x15: {  	[sflag:s0] =	ssyncset.done $0x0  }
0x16: {  	[sflag:s0] =	ssyncadd.s32 $0xFFFFA800  }
0x17: {  	_ =	swait.ge [sflag:s31], $0x5800  }
0x18: {  	s8 =	rddreg [dreg:$0xa]  }
0x19: {  	s18 =	rddreg [dreg:$0x9];
	s8 =	sadd.s32 $0x1, s8  }
0x1a: {  	p0 =	sne.s32 s8, s18  }
.Ltmp1:
0x1b: {  	_ = 	snop;
	(pc) =	sbr.rel @!p0 .LBB2_17-.Ltmp1, $3  }
0x1c: {  	_ =	sdelay $0x1  }
0x1d: {  	[sflag:s31] =	ssyncset.done $0x0  }
0x1e: {  	[sflag:s31] =	ssyncadd.s32 $0xFFFFA800  }
.LBB2_1:
0x1f: {  	[dreg:$0xa] =	wrdreg s8  }
0x20: {  	s0 =	rddreg [dreg:$0x3];
	s12 =	simm.s32 $0x1  }
0x21: {  	[tilespmem:s3], [sflag:$0x1] =	stream.linear.gather [hbm4b:s0+s3], $0x808, $0x38;
	[tilespmem:$0xDD08] =	vst v63  }
0x22: {  	_ =	swait.ge [sflag:s12], $0x808  }
0x23: {  	[sflag:s12] =	ssyncset.done $0x0  }
0x24: {  	[sflag:s12] =	ssyncadd.s32 $0xFFFFF7F8  }
0x25: {  	v26 =	vld [tilespmem:$0x0];
	_ =	sdelay $0x4  }
0x26: {  	v26 =	vsel vm0, $0x0, v26  }
0x27: {  	s14 =	simm.s32 $0x808;
	s13 =	rddreg [dreg:$0x4];
	[tilespmem:$0x0] =	vst v26  }
0x28: {  	[tilespmem:s14], [sflag:$0x2] =	stream.linear.gather [hbm4b:s13+s3], $0xA00, $0x38;
	[tilespmem:$0xDD08] =	vst v63  }
0x29: {  	s16 =	rddreg [dreg:$0x5]  }
0x2a: {  	[tilespmem:s19], [sflag:$0x2] =	stream.linear.gather [hbm4b:s16+s3], $0x80, $0x38;
	[tilespmem:$0xDD08] =	vst v63  }
0x2b: {  	_ =	swait.ge [sflag:s20], $0xA00  }
0x2c: {  	[sflag:s20] =	ssyncset.done $0x0  }
0x2d: {  	[sflag:s20] =	ssyncadd.s32 $0xFFFFF600  }
0x2e: {  	_ =	swait.ge [sflag:s20], $0x80  }
0x2f: {  	[sflag:s20] =	ssyncset.done $0x0  }
0x30: {  	[sflag:s20] =	ssyncadd.s32 $0xFFFFFF80  }
0x31: {  	[tilespmem:s22], [sflag:$0x4] =	stream.indirect.gather [hbm4b:s9+s21], $0x10, s19, s21, $0xb8;
	[tilespmem:$0xDD08] =	vst v63  }
0x32: {  	s17 =	rddreg [dreg:$0x6]  }
0x33: {  	[tilespmem:s23], [sflag:$0x3] =	stream.linear.gather [hbm4b:s17+s3], $0xA00, $0x38;
	[tilespmem:$0xDD08] =	vst v63  }
0x34: {  	s10 =	simm.s32 $0x0;
	s18 =	rddreg [dreg:$0x7]  }
0x35: {  	[tilespmem:s24], [sflag:$0x3] =	stream.linear.gather [hbm4b:s18+s3], $0x80, $0x38;
	[tilespmem:$0xDD08] =	vst v63  }
.LBB2_2:
0x36: {  	_ =	swait.ge [sflag:s25], $0x800  }
0x37: {  	p0 =	seq.s32 s10, $0x0;
	[sflag:s25] =	ssyncset.done $0x0  }
0x38: {  	s0 =	simm.s32 @!p0 $0x6;
	[sflag:s25] =	ssyncadd.s32 $0xFFFFF800  }
0x39: {  	_ =	swait.ge @!p0 [sflag:s0], $0x5800  }
0x3a: {  	[sflag:s0] =	ssyncset.done @!p0 $0x0  }
0x3b: {  	s17 =	simm.s32 $0x1D18;
	[sflag:s0] =	ssyncadd.s32 @!p0 $0xFFFFA800  }
0x3c: {  	v26 =	vld [tilespmem:s17+$0x0];
	_ =	sdelay $0x2  }
0x3d: {  	v28 =	vld [tilespmem:s17+$0xFFFFFFF0]  }
0x3e: {  	s12 =	simm.s32 $0x2DB8  }
0x3f: {  	s8 =	simm.s32 $0x820;
	[tilespmem:s12+$0x0] =	vst v26  }
0x40: {  	v26 =	vld [tilespmem:s8+$0xFFFFFFFC];
	_ =	sdelay $0x1  }
0x41: {  	[tilespmem:s12+$0xFFFFFF50] =	vst v28;
	v27 =	vld [tilespmem:s8+$0x0]  }
0x42: {  	v34 =	vld [tilespmem:s8+$0xFFFFFFE8];
	_ =	sdelay $0x1  }
0x43: {  	v29 =	vperm.xlane v26, v0  }
0x44: {  	v30 =	vperm.xlane v26, v2;
	v31 =	vperm.xlane v26, v3  }
0x45: {  	s18 =	simm.s32 $0x1D38;
	v32 =	vperm.xlane v27, v9;
	v38 =	vperm.xlane v26, v8  }
0x46: {  	v37 =	vld [tilespmem:s18+$0x0];
	v27 =	vperm.xlane v27, v8;
	v55 =	vperm.xlane v34, v0  }
0x47: {  	v56 =	vperm.xlane v34, v2;
	v41 =	vperm.xlane v34, v3  }
0x48: {  	v39 =	vld [tilespmem:s18+$0xFFFFFFF0];
	v44 =	vperm.xlane v34, v4;
	v45 =	vperm.xlane v34, v5;
	v29 =	vshll.u32 v29, $0x3  }
0x49: {  	v35 =	vld [tilespmem:s8+$0xFFFFFFEC];
	v48 =	vperm.xlane v34, v6;
	v30 =	vshll.u32 v30, $0x3;
	v29 =	vor.u32 v1, v29  }
0x4a: {  	s16 =	simm.s32 $0x2F18;
	v57 =	vperm.xlane v34, v8;
	v32 =	vshll.u32 v32, $0x3;
	v28 =	vor.u32 v1, v30  }
0x4b: {  	s0 =	simm.s32 $0x848;
	[tilespmem:s16+$0x0] =	vst v37;
	v54 =	vshll.u32 v38, $0x3;
	v38 =	vshll.u32 v56, $0x3;
	v32 =	vor.u32 v1, v32  }
0x4c: {  	v46 =	vld [tilespmem:s0+$0xFFFFFFFC];
	v34 =	vperm.xlane v34, v9;
	v59 =	vshll.u32 v44, $0x3;
	v38 =	vor.u32 v1, v38  }
0x4d: {  	s17 =	simm.s32 $0x0;
	v61 =	vshll.u32 v45, $0x3;
	v62 =	vshll.u32 v48, $0x3;
	v48 =	vld [tilespmem:s0+$0x0];
	v49 =	vor.u32 v1, v59  }
0x4e: {  	[tilespmem:s16+$0xFFFFFF50] =	vst v39;
	v58 =	vperm.xlane v35, v8;
	v34 =	vshll.u32 v34, $0x3;
	v39 =	vor.u32 v1, v61;
	v43 =	vld.idx.msk [tilespmem:v29+s17+$0x0], $0xffff  }
0x4f: {  	v35 =	vperm.xlane v35, v9;
	v30 =	vshll.u32 v31, $0x3;
	v56 =	vor.u32 v1, v34;
	v47 =	vld.idx.msk [tilespmem:v28+s17+$0x0], $0xffff  }
0x50: {  	v27 =	vshll.u32 v27, $0x3;
	v31 =	vperm.xlane v26, v4;
	v30 =	vor.u32 v1, v30;
	v42 =	vld.idx.msk [tilespmem:v32+s17+$0x0], $0xffff  }
0x51: {  	v33 =	vperm.xlane v26, v5;
	v63 =	vshll.u32 v35, $0x3;
	v27 =	vor.u32 v1, v27;
	v35 =	vld.idx.msk [tilespmem:v38+s17+$0x0], $0xffff  }
0x52: {  	v36 =	vperm.xlane v26, v6;
	v31 =	vshll.u32 v31, $0x3;
	v38 =	vld.idx.msk [tilespmem:v49+s17+$0x0], $0xffff  }
0x53: {  	v53 =	vperm.xlane v26, v9;
	v33 =	vshll.u32 v33, $0x3;
	v31 =	vor.u32 v1, v31;
	v39 =	vld.idx.msk [tilespmem:v39+s17+$0x0], $0xffff  }
0x54: {  	v52 =	vshll.u32 v36, $0x3;
	v29 =	vor.u32 v1, v33;
	v44 =	vld.idx.msk [tilespmem:v56+s17+$0x0], $0xffff  }
0x55: {  	v28 =	vor.u32 v1, v52;
	v32 =	vshll.u32 v55, $0x3;
	v26 =	vld.idx.msk [tilespmem:v30+s17+$0x0], $0xffff;
	v30 =	vshll.u32 v53, $0x3  }
0x56: {  	v40 =	vor.u32 v1, v32;
	v32 =	vld.idx.msk [tilespmem:v27+s17+$0x0], $0xffff;
	v36 =	vor.u32 v1, v30  }
0x57: {  	v33 =	vor.u32 v1, v54;
	v27 =	vshll.u32 v41, $0x3;
	v41 =	vld [tilespmem:s0+$0xFFFFFFE8]  }
0x58: {  	v31 =	vld.idx.msk [tilespmem:v31+s17+$0x0], $0xffff  }
0x59: {  	v60 =	vor.u32 v1, v27;
	v29 =	vld.idx.msk [tilespmem:v29+s17+$0x0], $0xffff  }
0x5a: {  	v50 =	vperm.xlane v46, v0;
	v37 =	vshll.u32 v58, $0x3;
	v30 =	vld.idx.msk [tilespmem:v28+s17+$0x0], $0xffff  }
0x5b: {  	v51 =	vor.u32 v1, v62;
	v34 =	vor.u32 v1, v63;
	v28 =	vld.idx.msk [tilespmem:v36+s17+$0x0], $0xffff;
	v36 =	vshll.u32 v57, $0x3  }
0x5c: {  	v59 =	vshll.u32 v50, $0x3;
	v53 =	vperm.xlane v46, v2;
	v33 =	vld.idx.msk [tilespmem:v33+s17+$0x0], $0xffff;
	v52 =	vor.u32 v1, v36  }
0x5d: {  	v62 =	vperm.xlane v46, v4;
	v54 =	vperm.xlane v46, v3;
	v49 =	vor.u32 v1, v59;
	v27 =	vld.idx.msk [tilespmem:v40+s17+$0x0], $0xffff  }
0x5e: {  	v55 =	vperm.xlane v48, v9;
	v36 =	vor.u32 v1, v37;
	v37 =	vld.idx.msk [tilespmem:v60+s17+$0x0], $0xffff;
	v60 =	vshll.u32 v53, $0x3  }
0x5f: {  	v61 =	vshll.u32 v54, $0x3;
	v54 =	vperm.xlane v46, v6;
	v40 =	vld [tilespmem:s0+$0xFFFFFFEC];
	[tilespmem:s12+$0xA0] =	vst v42;
	v50 =	vor.u32 v1, v60  }
0x60: {  	s11 =	sshll.u32 s10, $0x8;
	s14 =	simm.s32 $0x1D58;
	v63 =	vshll.u32 v55, $0x3;
	v42 =	vld.idx.msk [tilespmem:v51+s17+$0x0], $0xffff;
	[tilespmem:s12+$0x10] =	vst v43;
	v51 =	vor.u32 v1, v61;
	v53 =	vperm.xlane v46, v5  }
0x61: {  	s13 =	simm.s32 $0x2F18;
	s18 =	simm.s32 $0x2;
	s8 =	simm.s32 $0x0;
	v55 =	vshll.u32 v62, $0x3;
	v45 =	vperm.xlane v41, v0;
	[tilespmem:s12+$0x20] =	vst v47;
	v43 =	vld.idx.msk [tilespmem:v52+s17+$0x0], $0xffff;
	v52 =	vor.u32 v1, v63  }
.LBB2_3:
0x62: {  	v56 =	vld [tilespmem:s14+$0x0];
	v55 =	vor.u32 v1, v55;
	v47 =	vshll.u32 v53, $0x3;
	v53 =	vperm.xlane v46, v8;
	[tilespmem:s12+$0x30] =	vst v26  }
0x63: {  	v46 =	vperm.xlane v46, v9;
	v49 =	vld.idx.msk [tilespmem:v49+s17+$0x0], $0xffff;
	v57 =	vor.u32 v1, v47;
	v26 =	vshll.u32 v54, $0x3;
	[tilespmem:s12+$0x40] =	vst v31  }
0x64: {  	v48 =	vperm.xlane v48, v8;
	v47 =	vld.idx.msk [tilespmem:v50+s17+$0x0], $0xffff;
	v50 =	vor.u32 v1, v26;
	v31 =	vshll.u32 v53, $0x3;
	[tilespmem:s12+$0x50] =	vst v29  }
0x65: {  	v53 =	vperm.xlane v41, v2;
	v29 =	vshll.u32 v46, $0x3;
	v26 =	vld.idx.msk [tilespmem:v51+s17+$0x0], $0xffff;
	v51 =	vor.u32 v1, v31;
	[tilespmem:s12+$0x60] =	vst v30  }
0x66: {  	v46 =	vperm.xlane v41, v3;
	v54 =	vor.u32 v1, v29;
	v29 =	vshll.u32 v48, $0x3;
	v48 =	vld.idx.msk [tilespmem:v52+s17+$0x0], $0xffff;
	[tilespmem:s12+$0x70] =	vst v33  }
0x67: {  	v33 =	vperm.xlane v41, v4;
	v52 =	vperm.xlane v41, v5;
	v31 =	vld.idx.msk [tilespmem:v55+s17+$0x0], $0xffff;
	v55 =	vor.u32 v1, v29  }
0x68: {  	v45 =	vshll.u32 v45, $0x3;
	v58 =	vperm.xlane v41, v6;
	v59 =	vperm.xlane v41, v8;
	v29 =	vld.idx.msk [tilespmem:v57+s17+$0x0], $0xffff;
	[tilespmem:s12+$0x80] =	vst v28  }
0x69: {  	v53 =	vshll.u32 v53, $0x3;
	v41 =	vperm.xlane v41, v9;
	v57 =	vperm.xlane v40, v8;
	v30 =	vld.idx.msk [tilespmem:v50+s17+$0x0], $0xffff;
	[tilespmem:s12+$0x90] =	vst v32  }
0x6a: {  	v46 =	vshll.u32 v46, $0x3;
	v50 =	vshll.u32 v33, $0x3;
	v32 =	vperm.xlane v40, v9;
	v33 =	vld.idx.msk [tilespmem:v51+s17+$0x0], $0xffff  }
0x6b: {  	v40 =	vshll.u32 v52, $0x3;
	v52 =	vshll.u32 v59, $0x3;
	v51 =	vshll.u32 v58, $0x3;
	v28 =	vld.idx.msk [tilespmem:v54+s17+$0x0], $0xffff  }
0x6c: {  	v41 =	vshll.u32 v41, $0x3;
	v54 =	vshll.u32 v57, $0x3;
	v57 =	vshll.u32 v32, $0x3;
	v32 =	vld.idx.msk [tilespmem:v55+s17+$0x0], $0xffff;
	[tilespmem:s16+$0xA0] =	vst v48  }
0x6d: {  	v45 =	vor.u32 v1, v45;
	v53 =	vor.u32 v1, v53;
	v55 =	vor.u32 v1, v46;
	v48 =	vld [tilespmem:s14+$0xFFFFFFF0];
	[tilespmem:s16+$0x10] =	vst v49  }
0x6e: {  	s18 =	sadd.s32 $0x2, s18;
	v51 =	vor.u32 v1, v51;
	v49 =	vor.u32 v1, v50;
	v50 =	vor.u32 v1, v40;
	v58 =	vld.idx.msk [tilespmem:v36+s8+$0x0], $0xffff  }
0x6f: {  	p1 =	slt.u32 s18, $0x7E;
	v59 =	vor.u32 v1, v41;
	v52 =	vor.u32 v1, v52;
	s16 =	sadd.s32 $0x160, s16;
	v36 =	vor.u32 v1, v54;
	v54 =	vld.idx.msk [tilespmem:v34+s8+$0x0], $0xffff;
	s8 =	smov.u32 s17  }
0x70: {  	s0 =	sadd.s32 $0x28, s0;
	v34 =	vor.u32 v1, v57;
	[tilespmem:s16+$0x0] =	vst v56  }
0x71: {  	v46 =	vld [tilespmem:s0+$0xFFFFFFFC];
	[tilespmem:s12+$0xFFFFFF60] =	vst v27  }
0x72: {  	[tilespmem:s16+$0xFFFFFF50] =	vst v48;
	v27 =	vld.idx.msk [tilespmem:v45+s8+$0x0], $0xffff  }
0x73: {  	v41 =	vld [tilespmem:s0+$0xFFFFFFE8];
	[tilespmem:s12+$0xFFFFFF70] =	vst v35  }
0x74: {  	v48 =	vld [tilespmem:s0+$0x0];
	[tilespmem:s12+$0xFFFFFF80] =	vst v37  }
0x75: {  	v40 =	vld [tilespmem:s0+$0xFFFFFFEC];
	[tilespmem:s12+$0xFFFFFF90] =	vst v38  }
0x76: {  	v38 =	vperm.xlane v46, v0;
	v35 =	vld.idx.msk [tilespmem:v53+s8+$0x0], $0xffff;
	[tilespmem:s12+$0xFFFFFFA0] =	vst v39  }
0x77: {  	v39 =	vperm.xlane v46, v2;
	v37 =	vld.idx.msk [tilespmem:v55+s8+$0x0], $0xffff;
	[tilespmem:s12+$0xFFFFFFB0] =	vst v42  }
.Ltmp2:
0x78: {  	v53 =	vperm.xlane v46, v3;
	v45 =	vperm.xlane v41, v0;
	v42 =	vshll.u32 v38, $0x3;
	v38 =	vld.idx.msk [tilespmem:v49+s8+$0x0], $0xffff;
	[tilespmem:s12+$0xFFFFFFC0] =	vst v43;
	(pc) =	sbr.rel @p1 .LBB2_3-.Ltmp2, $4  }
0x79: {  	v49 =	vor.u32 v1, v42;
	v42 =	vshll.u32 v39, $0x3;
	v43 =	vperm.xlane v48, v9;
	v39 =	vld.idx.msk [tilespmem:v50+s8+$0x0], $0xffff;
	[tilespmem:s12+$0xFFFFFFD0] =	vst v44  }
0x7a: {  	v55 =	vperm.xlane v46, v4;
	v44 =	vshll.u32 v53, $0x3;
	v50 =	vor.u32 v1, v42;
	v42 =	vld.idx.msk [tilespmem:v51+s8+$0x0], $0xffff;
	[tilespmem:s12+$0xFFFFFFE0] =	vst v58  }
0x7b: {  	v53 =	vperm.xlane v46, v5;
	v51 =	vor.u32 v1, v44;
	v44 =	vshll.u32 v43, $0x3;
	v43 =	vld.idx.msk [tilespmem:v52+s8+$0x0], $0xffff;
	[tilespmem:s12+$0xFFFFFFF0] =	vst v54;
	s12 =	smov.u32 s13;
	s13 =	smov.u32 s16  }
0x7c: {  	s14 =	sadd.s32 $0x20, s14;
	v55 =	vshll.u32 v55, $0x3;
	v54 =	vperm.xlane v46, v6;
	v52 =	vor.u32 v1, v44;
	v44 =	vld.idx.msk [tilespmem:v59+s8+$0x0], $0xffff;
	[tilespmem:s12+$0x20] =	vst v47  }
0x7d: {  	[tilespmem:s12+$0x30] =	vst v26  }
0x7e: {  	v47 =	vor.u32 v1, v55;
	[tilespmem:s12+$0x40] =	vst v31  }
0x7f: {  	[tilespmem:s12+$0x50] =	vst v29  }
0x80: {  	[tilespmem:s12+$0x60] =	vst v30  }
0x81: {  	[tilespmem:s12+$0x70] =	vst v33  }
0x82: {  	s0 =	simm.s32 $0x0;
	[tilespmem:s12+$0x80] =	vst v28;
	v34 =	vld.idx.msk [tilespmem:v34+s8+$0x0], $0xffff  }
0x83: {  	v53 =	vshll.u32 v53, $0x3;
	v59 =	vperm.xlane v46, v8;
	[tilespmem:s12+$0x90] =	vst v32;
	v31 =	vld.idx.msk [tilespmem:v47+s0+$0x0], $0xffff  }
0x84: {  	v60 =	vperm.xlane v46, v9;
	v53 =	vor.u32 v1, v53;
	v54 =	vshll.u32 v54, $0x3;
	v47 =	vld.idx.msk [tilespmem:v36+s8+$0x0], $0xffff;
	[tilespmem:s12+$0xFFFFFF60] =	vst v27  }
0x85: {  	v48 =	vperm.xlane v48, v8;
	v49 =	vld.idx.msk [tilespmem:v49+s0+$0x0], $0xffff;
	v54 =	vor.u32 v1, v54;
	v55 =	vshll.u32 v59, $0x3;
	[tilespmem:s12+$0xFFFFFF70] =	vst v35  }
0x86: {  	v50 =	vld.idx.msk [tilespmem:v50+s0+$0x0], $0xffff;
	v46 =	vshll.u32 v60, $0x3;
	v55 =	vor.u32 v1, v55;
	[tilespmem:s12+$0xFFFFFF80] =	vst v37  }
0x87: {  	v51 =	vld.idx.msk [tilespmem:v51+s0+$0x0], $0xffff;
	v61 =	vshll.u32 v48, $0x3;
	v48 =	vperm.xlane v41, v3;
	v26 =	vor.u32 v1, v46;
	[tilespmem:s12+$0xFFFFFF90] =	vst v38  }
0x88: {  	v62 =	vld.idx.msk [tilespmem:v52+s0+$0x0], $0xffff;
	v52 =	vperm.xlane v41, v4;
	v46 =	vor.u32 v1, v61;
	[tilespmem:s12+$0xFFFFFFA0] =	vst v39  }
0x89: {  	v56 =	vperm.xlane v41, v9;
	v35 =	vshll.u32 v48, $0x3;
	[tilespmem:s12+$0xFFFFFFB0] =	vst v42;
	v29 =	vld.idx.msk [tilespmem:v53+s0+$0x0], $0xffff  }
0x8a: {  	v27 =	vperm.xlane v41, v2;
	v37 =	vshll.u32 v52, $0x3;
	[tilespmem:s12+$0xFFFFFFC0] =	vst v43;
	v35 =	vor.u32 v1, v35;
	v30 =	vld.idx.msk [tilespmem:v54+s0+$0x0], $0xffff  }
0x8b: {  	v57 =	vperm.xlane v40, v8;
	v59 =	vshll.u32 v56, $0x3;
	[tilespmem:s12+$0xFFFFFFD0] =	vst v44;
	v37 =	vor.u32 v1, v37;
	v63 =	vld.idx.msk [tilespmem:v55+s0+$0x0], $0xffff  }
0x8c: {  	v58 =	vperm.xlane v40, v9;
	v40 =	vor.u32 v1, v59;
	[tilespmem:s12+$0xFFFFFFF0] =	vst v34;
	v27 =	vshll.u32 v27, $0x3;
	v26 =	vld.idx.msk [tilespmem:v26+s0+$0x0], $0xffff  }
0x8d: {  	v61 =	vshll.u32 v57, $0x3;
	v28 =	vld.idx.msk [tilespmem:v46+s0+$0x0], $0xffff;
	[tilespmem:s16+$0xA0] =	vst v62;
	v27 =	vor.u32 v1, v27  }
0x8e: {  	v32 =	vshll.u32 v58, $0x3;
	v34 =	vor.u32 v1, v61;
	v53 =	vperm.xlane v41, v5;
	[tilespmem:s16+$0x10] =	vst v49  }
0x8f: {  	v32 =	vor.u32 v1, v32;
	v54 =	vperm.xlane v41, v6;
	v49 =	vshll.u32 v45, $0x3;
	[tilespmem:s13+$0x20] =	vst v50;
	v35 =	vld.idx.msk [tilespmem:v35+s0+$0x0], $0xffff  }
0x90: {  	v55 =	vperm.xlane v41, v8;
	v38 =	vshll.u32 v53, $0x3;
	v36 =	vor.u32 v1, v49;
	[tilespmem:s13+$0x30] =	vst v51;
	v37 =	vld.idx.msk [tilespmem:v37+s0+$0x0], $0xffff  }
0x91: {  	v39 =	vshll.u32 v54, $0x3;
	v38 =	vor.u32 v1, v38;
	[tilespmem:s13+$0x60] =	vst v30;
	v30 =	vld.idx.msk [tilespmem:v40+s0+$0x0], $0xffff  }
0x92: {  	v42 =	vshll.u32 v55, $0x3;
	v39 =	vor.u32 v1, v39;
	[tilespmem:s12+$0xFFFFFFE0] =	vst v47;
	v27 =	vld.idx.msk [tilespmem:v27+s0+$0x0], $0xffff  }
0x93: {  	v60 =	vor.u32 v1, v42;
	[tilespmem:s13+$0x80] =	vst v26;
	v26 =	vld.idx.msk [tilespmem:v34+s0+$0x0], $0xffff  }
0x94: {  	[tilespmem:s13+$0x90] =	vst v28;
	v28 =	vld.idx.msk [tilespmem:v32+s0+$0x0], $0xffff  }
0x95: {  	[tilespmem:s13+$0x40] =	vst v31;
	v36 =	vld.idx.msk [tilespmem:v36+s0+$0x0], $0xffff  }
0x96: {  	[tilespmem:s13+$0x50] =	vst v29;
	v38 =	vld.idx.msk [tilespmem:v38+s0+$0x0], $0xffff  }
0x97: {  	[tilespmem:s13+$0x70] =	vst v63;
	v31 =	vld.idx.msk [tilespmem:v39+s0+$0x0], $0xffff  }
0x98: {  	v29 =	vld.idx.msk [tilespmem:v60+s0+$0x0], $0xffff;
	[tilespmem:s13+$0xFFFFFF80] =	vst v35  }
0x99: {  	[tilespmem:s13+$0xFFFFFF90] =	vst v37  }
0x9a: {  	[tilespmem:s13+$0xFFFFFFD0] =	vst v30  }
0x9b: {  	[tilespmem:s13+$0xFFFFFF70] =	vst v27  }
0x9c: {  	[tilespmem:s13+$0xFFFFFFE0] =	vst v26  }
0x9d: {  	[tilespmem:s13+$0xFFFFFFF0] =	vst v28  }
0x9e: {  	[tilespmem:s13+$0xFFFFFF60] =	vst v36  }
0x9f: {  	[tilespmem:s13+$0xFFFFFFA0] =	vst v38  }
0xa0: {  	[tilespmem:s13+$0xFFFFFFB0] =	vst v31  }
0xa1: {  	s18 =	simm.s32 $0x1C08;
	[tilespmem:s13+$0xFFFFFFC0] =	vst v29  }
0xa2: {  	v27 =	vld [tilespmem:s18+$0x0]  }
0xa3: {  	v26 =	vmov s0  }
0xa4: {  	v26 =	vmul.u32 $0xB0, v26;
	_ =	sdelay $0x1  }
0xa5: {  	v26 =	vbroadcast v26, $0x0  }
0xa6: {  	vm2 =	veq.s32 v27, $0x0  }
0xa7: {  	v27 =	vadd.s32 v7, v26  }
0xa8: {  	v28 =	vadd.s32 v11, v26  }
0xa9: {  	v29 =	vadd.s32 v12, v26  }
0xaa: {  	v62 =	vadd.s32 v13, v26  }
0xab: {  	p1 =	por $0x1, $0x1;
	v63 =	vadd.s32 v14, v26;
	vm1 =	vmmov vm2  }
.Ltmp3:
0xac: {  	v30 =	vadd.s32 v15, v26;
	[tilespmem:v27+s26+$0x0] =	vst.idx.msk vm2, v10;
	(pc) =	sbr.rel @!p1 .LBB2_6-.Ltmp3, $4  }
0xad: {  	v31 =	vadd.s32 v16, v26;
	[tilespmem:v28+s26+$0x0] =	vst.idx.msk vm2, v10  }
0xae: {  	v27 =	vadd.s32 v17, v26;
	[tilespmem:v29+s26+$0x0] =	vst.idx.msk vm2, v10  }
0xaf: {  	v29 =	vadd.s32 v18, v26;
	[tilespmem:v62+s26+$0x0] =	vst.idx.msk vm2, v10  }
0xb0: {  	s8 =	simm.s32 $0x10;
	s0 =	simm.s32 $0x1C18;
	v28 =	vadd.s32 v19, v26;
	[tilespmem:v63+s26+$0x0] =	vst.idx.msk vm2, v10  }
.LBB2_5:
0xb1: {  	v32 =	vld [tilespmem:s0+$0x0];
	p1 =	sne.s32 s8, $0x70;
	[tilespmem:v30+s26+$0x0] =	vst.idx.msk vm1, v10;
	v30 =	vadd.s32 v20, v26  }
0xb2: {  	v33 =	vmov s8;
	[tilespmem:v31+s26+$0x0] =	vst.idx.msk vm1, v10;
	v31 =	vadd.s32 v21, v26  }
0xb3: {  	v33 =	vmul.u32 $0xB0, v33;
	[tilespmem:v27+s26+$0x0] =	vst.idx.msk vm1, v10;
	v27 =	vadd.s32 v22, v26  }
0xb4: {  	[tilespmem:v29+s26+$0x0] =	vst.idx.msk vm1, v10;
	v29 =	vadd.s32 v23, v26  }
0xb5: {  	v33 =	vbroadcast v33, $0x0;
	[tilespmem:v28+s26+$0x0] =	vst.idx.msk vm1, v10;
	v28 =	vadd.s32 v24, v26  }
0xb6: {  	vm2 =	veq.s32 v32, $0x0;
	[tilespmem:v30+s26+$0x0] =	vst.idx.msk vm1, v10;
	v30 =	vadd.s32 v25, v26  }
0xb7: {  	v32 =	vadd.s32 v7, v33;
	v26 =	vmov v33;
	[tilespmem:v31+s26+$0x0] =	vst.idx.msk vm1, v10  }
0xb8: {  	v31 =	vadd.s32 v11, v26;
	[tilespmem:v27+s26+$0x0] =	vst.idx.msk vm1, v10  }
0xb9: {  	v27 =	vadd.s32 v12, v26;
	[tilespmem:v29+s26+$0x0] =	vst.idx.msk vm1, v10  }
0xba: {  	v29 =	vadd.s32 v13, v26;
	[tilespmem:v28+s26+$0x0] =	vst.idx.msk vm1, v10  }
0xbb: {  	v28 =	vadd.s32 v14, v26;
	[tilespmem:v30+s26+$0x0] =	vst.idx.msk vm1, v10;
	vm1 =	vmmov vm2  }
.Ltmp4:
0xbc: {  	v30 =	vadd.s32 v15, v26;
	[tilespmem:v32+s26+$0x0] =	vst.idx.msk vm2, v10;
	(pc) =	sbr.rel @p1 .LBB2_5-.Ltmp4, $4  }
0xbd: {  	[tilespmem:v31+s26+$0x0] =	vst.idx.msk vm2, v10;
	v31 =	vadd.s32 v16, v26  }
0xbe: {  	[tilespmem:v27+s26+$0x0] =	vst.idx.msk vm2, v10;
	v27 =	vadd.s32 v17, v26  }
0xbf: {  	[tilespmem:v29+s26+$0x0] =	vst.idx.msk vm2, v10;
	v29 =	vadd.s32 v18, v26  }
0xc0: {  	s0 =	sadd.s32 $0x10, s0;
	s8 =	sadd.s32 $0x10, s8;
	[tilespmem:v28+s26+$0x0] =	vst.idx.msk vm2, v10;
	v28 =	vadd.s32 v19, v26  }
.LBB2_6:
0xc1: {  	_ =	sdelay $0x4  }
0xc2: {  	[tilespmem:v30+s26+$0x0] =	vst.idx.msk vm1, v10;
	v60 =	vadd.s32 v20, v26  }
0xc3: {  	v61 =	vadd.s32 v21, v26;
	[tilespmem:v31+s26+$0x0] =	vst.idx.msk vm1, v10  }
0xc4: {  	[tilespmem:v27+s26+$0x0] =	vst.idx.msk vm1, v10;
	v27 =	vadd.s32 v22, v26  }
0xc5: {  	v62 =	vadd.s32 v23, v26;
	[tilespmem:v29+s26+$0x0] =	vst.idx.msk vm1, v10  }
0xc6: {  	v63 =	vadd.s32 v24, v26;
	[tilespmem:v28+s26+$0x0] =	vst.idx.msk vm1, v10  }
0xc7: {  	v26 =	vadd.s32 v25, v26;
	[tilespmem:v60+s26+$0x0] =	vst.idx.msk vm1, v10  }
0xc8: {  	[tilespmem:v61+s26+$0x0] =	vst.idx.msk vm1, v10  }
0xc9: {  	s0 =	sadd.s32 s4, s11;
	[tilespmem:v27+s26+$0x0] =	vst.idx.msk vm1, v10  }
0xca: {  	s0 =	smul.u32 $0x16, s0;
	[tilespmem:v62+s26+$0x0] =	vst.idx.msk vm1, v10  }
0xcb: {  	[tilespmem:v63+s26+$0x0] =	vst.idx.msk vm1, v10  }
0xcc: {  	s0 =	sadd.s32 s2, s0;
	[tilespmem:v26+s26+$0x0] =	vst.idx.msk vm1, v10  }
0xcd: {  	[hbm4b:s0+s3] =	stream.linear.scatter [tilespmem:s26], [sflag:$0x6], $0x5800, $0x38;
	[tilespmem:$0xDD08] =	vst v63  }
0xce: {  	_ =	swait.ge [sflag:s28], $0xA00  }
0xcf: {  	p1 =	sne.s32 s10, $0x18;
	[sflag:s28] =	ssyncset.done $0x0  }
.Ltmp5:
0xd0: {  	[sflag:s28] =	ssyncadd.s32 $0xFFFFF600;
	(pc) =	sbr.rel @p1 .LBB2_8-.Ltmp5, $4  }
0xd1: {  	_ =	swait.ge [sflag:s28], $0x80  }
0xd2: {  	[sflag:s28] =	ssyncset.done $0x0  }
0xd3: {  	[sflag:s28] =	ssyncadd.s32 $0xFFFFFF80  }
0xd4: {  	[tilespmem:s29], [sflag:$0x5] =	stream.indirect.gather [hbm4b:s9+s21], $0x10, s24, s21, $0xb8;
	[tilespmem:$0xDD08] =	vst v63  }
.Ltmp6:
0xd5: {  	(pc) =	sbr.rel .LBB2_9-.Ltmp6, $4  }
0xd6: {  	_ = 	snop  }
0xd7: {  	_ =	swait.ge [sflag:s30], $0x800  }
0xd8: {  	[sflag:s30] =	ssyncset.done $0x0  }
0xd9: {  	[sflag:s30] =	ssyncadd.s32 $0xFFFFF800  }
.LBB2_8:
0xda: {  	s0 =	rddreg [dreg:$0x8]  }
0xdb: {  	s0 =	sadd.s32 s11, s0  }
0xdc: {  	s8 =	smul.u32 $0x14, s0;
	_ =	sdelay $0x1  }
0xdd: {  	s8 =	sshrl.u32 s8, $0x3  }
0xde: {  	s12 =	simm.s32 $0x808;
	s0 =	sshrl.u32 s0, $0x3;
	s8 =	sadd.s32 s5, s8  }
0xdf: {  	[tilespmem:s12], [sflag:$0x2] =	stream.linear.gather [hbm4b:s8+s3], $0xA00, $0x38;
	[tilespmem:$0xDD08] =	vst v63  }
.Ltmp7:
0xe0: {  	s0 =	sadd.s32 s7, s0;
	(pc) =	sbr.rel @p0 .LBB2_10-.Ltmp7, $4  }
0xe1: {  	[tilespmem:s19], [sflag:$0x2] =	stream.linear.gather [hbm4b:s0+s3], $0x80, $0x38;
	[tilespmem:$0xDD08] =	vst v63  }
0xe2: {  	_ =	swait.ge [sflag:s30], $0x800  }
0xe3: {  	[sflag:s30] =	ssyncset.done $0x0  }
0xe4: {  	[sflag:s30] =	ssyncadd.s32 $0xFFFFF800  }
.LBB2_9:
0xe5: {  	_ =	swait.ge [sflag:s31], $0x5800  }
0xe6: {  	[sflag:s31] =	ssyncset.done $0x0  }
0xe7: {  	[sflag:s31] =	ssyncadd.s32 $0xFFFFA800  }
.LBB2_10:
0xe8: {  	s0 =	simm.s32 $0x2518  }
0xe9: {  	v26 =	vld [tilespmem:s0+$0x0];
	_ =	sdelay $0x2  }
0xea: {  	v28 =	vld [tilespmem:s0+$0xFFFFFFF0]  }
0xeb: {  	s12 =	simm.s32 $0x85B8  }
0xec: {  	s8 =	simm.s32 $0x1220;
	[tilespmem:s12+$0x0] =	vst v26  }
0xed: {  	v26 =	vld [tilespmem:s8+$0xFFFFFFFC];
	_ =	sdelay $0x1  }
0xee: {  	[tilespmem:s12+$0xFFFFFF50] =	vst v28;
	v27 =	vld [tilespmem:s8+$0x0]  }
0xef: {  	v34 =	vld [tilespmem:s8+$0xFFFFFFE8];
	_ =	sdelay $0x1  }
0xf0: {  	v29 =	vperm.xlane v26, v0  }
0xf1: {  	v30 =	vperm.xlane v26, v2;
	v31 =	vperm.xlane v26, v3  }
0xf2: {  	s18 =	simm.s32 $0x2538;
	v32 =	vperm.xlane v27, v9;
	v38 =	vperm.xlane v26, v8  }
0xf3: {  	v37 =	vld [tilespmem:s18+$0x0];
	v27 =	vperm.xlane v27, v8;
	v55 =	vperm.xlane v34, v0  }
0xf4: {  	v56 =	vperm.xlane v34, v2;
	v41 =	vperm.xlane v34, v3  }
0xf5: {  	v39 =	vld [tilespmem:s18+$0xFFFFFFF0];
	v44 =	vperm.xlane v34, v4;
	v45 =	vperm.xlane v34, v5;
	v29 =	vshll.u32 v29, $0x3  }
0xf6: {  	v35 =	vld [tilespmem:s8+$0xFFFFFFEC];
	v48 =	vperm.xlane v34, v6;
	v30 =	vshll.u32 v30, $0x3;
	v29 =	vor.u32 v1, v29  }
0xf7: {  	s16 =	simm.s32 $0x8718;
	v57 =	vperm.xlane v34, v8;
	v32 =	vshll.u32 v32, $0x3;
	v28 =	vor.u32 v1, v30  }
0xf8: {  	s0 =	simm.s32 $0x1248;
	[tilespmem:s16+$0x0] =	vst v37;
	v54 =	vshll.u32 v38, $0x3;
	v38 =	vshll.u32 v56, $0x3;
	v32 =	vor.u32 v1, v32  }
0xf9: {  	v47 =	vld [tilespmem:s0+$0xFFFFFFFC];
	v34 =	vperm.xlane v34, v9;
	v59 =	vshll.u32 v44, $0x3;
	v38 =	vor.u32 v1, v38  }
0xfa: {  	s17 =	simm.s32 $0x0;
	v61 =	vshll.u32 v45, $0x3;
	v62 =	vshll.u32 v48, $0x3;
	v48 =	vld [tilespmem:s0+$0x0];
	v49 =	vor.u32 v1, v59  }
0xfb: {  	[tilespmem:s16+$0xFFFFFF50] =	vst v39;
	v58 =	vperm.xlane v35, v8;
	v34 =	vshll.u32 v34, $0x3;
	v39 =	vor.u32 v1, v61;
	v43 =	vld.idx.msk [tilespmem:v29+s17+$0x0], $0xffff  }
0xfc: {  	v35 =	vperm.xlane v35, v9;
	v30 =	vshll.u32 v31, $0x3;
	v56 =	vor.u32 v1, v34;
	v46 =	vld.idx.msk [tilespmem:v28+s17+$0x0], $0xffff  }
0xfd: {  	v27 =	vshll.u32 v27, $0x3;
	v31 =	vperm.xlane v26, v4;
	v30 =	vor.u32 v1, v30;
	v42 =	vld.idx.msk [tilespmem:v32+s17+$0x0], $0xffff  }
0xfe: {  	v33 =	vperm.xlane v26, v5;
	v63 =	vshll.u32 v35, $0x3;
	v27 =	vor.u32 v1, v27;
	v35 =	vld.idx.msk [tilespmem:v38+s17+$0x0], $0xffff  }
0xff: {  	v36 =	vperm.xlane v26, v6;
	v31 =	vshll.u32 v31, $0x3;
	v38 =	vld.idx.msk [tilespmem:v49+s17+$0x0], $0xffff  }
0x100: {  	v53 =	vperm.xlane v26, v9;
	v33 =	vshll.u32 v33, $0x3;
	v31 =	vor.u32 v1, v31;
	v39 =	vld.idx.msk [tilespmem:v39+s17+$0x0], $0xffff  }
0x101: {  	v52 =	vshll.u32 v36, $0x3;
	v29 =	vor.u32 v1, v33;
	v44 =	vld.idx.msk [tilespmem:v56+s17+$0x0], $0xffff  }
0x102: {  	v28 =	vor.u32 v1, v52;
	v32 =	vshll.u32 v55, $0x3;
	v26 =	vld.idx.msk [tilespmem:v30+s17+$0x0], $0xffff;
	v30 =	vshll.u32 v53, $0x3  }
0x103: {  	v40 =	vor.u32 v1, v32;
	v32 =	vld.idx.msk [tilespmem:v27+s17+$0x0], $0xffff;
	v36 =	vor.u32 v1, v30  }
0x104: {  	v33 =	vor.u32 v1, v54;
	v27 =	vshll.u32 v41, $0x3;
	v41 =	vld [tilespmem:s0+$0xFFFFFFE8]  }
0x105: {  	v31 =	vld.idx.msk [tilespmem:v31+s17+$0x0], $0xffff  }
0x106: {  	v60 =	vor.u32 v1, v27;
	v29 =	vld.idx.msk [tilespmem:v29+s17+$0x0], $0xffff  }
0x107: {  	v50 =	vperm.xlane v47, v0;
	v37 =	vshll.u32 v58, $0x3;
	v30 =	vld.idx.msk [tilespmem:v28+s17+$0x0], $0xffff  }
0x108: {  	v51 =	vor.u32 v1, v62;
	v34 =	vor.u32 v1, v63;
	v28 =	vld.idx.msk [tilespmem:v36+s17+$0x0], $0xffff;
	v36 =	vshll.u32 v57, $0x3  }
0x109: {  	v59 =	vshll.u32 v50, $0x3;
	v53 =	vperm.xlane v47, v2;
	v33 =	vld.idx.msk [tilespmem:v33+s17+$0x0], $0xffff;
	v52 =	vor.u32 v1, v36  }
0x10a: {  	v62 =	vperm.xlane v47, v4;
	v54 =	vperm.xlane v47, v3;
	v49 =	vor.u32 v1, v59;
	v27 =	vld.idx.msk [tilespmem:v40+s17+$0x0], $0xffff  }
0x10b: {  	v55 =	vperm.xlane v48, v9;
	v36 =	vor.u32 v1, v37;
	v37 =	vld.idx.msk [tilespmem:v60+s17+$0x0], $0xffff;
	v60 =	vshll.u32 v53, $0x3  }
0x10c: {  	v61 =	vshll.u32 v54, $0x3;
	v54 =	vperm.xlane v47, v6;
	v40 =	vld [tilespmem:s0+$0xFFFFFFEC];
	[tilespmem:s12+$0xA0] =	vst v42;
	v50 =	vor.u32 v1, v60  }
0x10d: {  	s14 =	simm.s32 $0x2558;
	v63 =	vshll.u32 v55, $0x3;
	v42 =	vld.idx.msk [tilespmem:v51+s17+$0x0], $0xffff;
	[tilespmem:s12+$0x10] =	vst v43;
	v51 =	vor.u32 v1, v61;
	v53 =	vperm.xlane v47, v5  }
0x10e: {  	s13 =	simm.s32 $0x8718;
	s18 =	simm.s32 $0x2;
	s8 =	simm.s32 $0x0;
	v55 =	vshll.u32 v62, $0x3;
	v45 =	vperm.xlane v41, v0;
	[tilespmem:s12+$0x20] =	vst v46;
	v43 =	vld.idx.msk [tilespmem:v52+s17+$0x0], $0xffff;
	v52 =	vor.u32 v1, v63  }
.LBB2_11:
0x10f: {  	v56 =	vld [tilespmem:s14+$0x0];
	v55 =	vor.u32 v1, v55;
	v46 =	vshll.u32 v53, $0x3;
	v53 =	vperm.xlane v47, v8;
	[tilespmem:s12+$0x30] =	vst v26  }
0x110: {  	v47 =	vperm.xlane v47, v9;
	v49 =	vld.idx.msk [tilespmem:v49+s17+$0x0], $0xffff;
	v57 =	vor.u32 v1, v46;
	v26 =	vshll.u32 v54, $0x3;
	[tilespmem:s12+$0x40] =	vst v31  }
0x111: {  	v48 =	vperm.xlane v48, v8;
	v46 =	vld.idx.msk [tilespmem:v50+s17+$0x0], $0xffff;
	v50 =	vor.u32 v1, v26;
	v31 =	vshll.u32 v53, $0x3;
	[tilespmem:s12+$0x50] =	vst v29  }
0x112: {  	v53 =	vperm.xlane v41, v2;
	v29 =	vshll.u32 v47, $0x3;
	v26 =	vld.idx.msk [tilespmem:v51+s17+$0x0], $0xffff;
	v51 =	vor.u32 v1, v31;
	[tilespmem:s12+$0x60] =	vst v30  }
0x113: {  	v47 =	vperm.xlane v41, v3;
	v54 =	vor.u32 v1, v29;
	v29 =	vshll.u32 v48, $0x3;
	v48 =	vld.idx.msk [tilespmem:v52+s17+$0x0], $0xffff;
	[tilespmem:s12+$0x70] =	vst v33  }
0x114: {  	v33 =	vperm.xlane v41, v4;
	v52 =	vperm.xlane v41, v5;
	v31 =	vld.idx.msk [tilespmem:v55+s17+$0x0], $0xffff;
	v55 =	vor.u32 v1, v29  }
0x115: {  	v45 =	vshll.u32 v45, $0x3;
	v58 =	vperm.xlane v41, v6;
	v59 =	vperm.xlane v41, v8;
	v29 =	vld.idx.msk [tilespmem:v57+s17+$0x0], $0xffff;
	[tilespmem:s12+$0x80] =	vst v28  }
0x116: {  	v53 =	vshll.u32 v53, $0x3;
	v41 =	vperm.xlane v41, v9;
	v57 =	vperm.xlane v40, v8;
	v30 =	vld.idx.msk [tilespmem:v50+s17+$0x0], $0xffff;
	[tilespmem:s12+$0x90] =	vst v32  }
0x117: {  	v47 =	vshll.u32 v47, $0x3;
	v50 =	vshll.u32 v33, $0x3;
	v32 =	vperm.xlane v40, v9;
	v33 =	vld.idx.msk [tilespmem:v51+s17+$0x0], $0xffff  }
0x118: {  	v40 =	vshll.u32 v52, $0x3;
	v52 =	vshll.u32 v59, $0x3;
	v51 =	vshll.u32 v58, $0x3;
	v28 =	vld.idx.msk [tilespmem:v54+s17+$0x0], $0xffff  }
0x119: {  	v41 =	vshll.u32 v41, $0x3;
	v54 =	vshll.u32 v57, $0x3;
	v57 =	vshll.u32 v32, $0x3;
	v32 =	vld.idx.msk [tilespmem:v55+s17+$0x0], $0xffff;
	[tilespmem:s16+$0xA0] =	vst v48  }
0x11a: {  	v45 =	vor.u32 v1, v45;
	v53 =	vor.u32 v1, v53;
	v55 =	vor.u32 v1, v47;
	v48 =	vld [tilespmem:s14+$0xFFFFFFF0];
	[tilespmem:s16+$0x10] =	vst v49  }
0x11b: {  	s18 =	sadd.s32 $0x2, s18;
	v51 =	vor.u32 v1, v51;
	v49 =	vor.u32 v1, v50;
	v50 =	vor.u32 v1, v40;
	v58 =	vld.idx.msk [tilespmem:v36+s8+$0x0], $0xffff  }
0x11c: {  	p0 =	slt.u32 s18, $0x7E;
	v59 =	vor.u32 v1, v41;
	v52 =	vor.u32 v1, v52;
	s16 =	sadd.s32 $0x160, s16;
	v36 =	vor.u32 v1, v54;
	v54 =	vld.idx.msk [tilespmem:v34+s8+$0x0], $0xffff;
	s8 =	smov.u32 s17  }
0x11d: {  	s0 =	sadd.s32 $0x28, s0;
	v34 =	vor.u32 v1, v57;
	[tilespmem:s16+$0x0] =	vst v56  }
0x11e: {  	v47 =	vld [tilespmem:s0+$0xFFFFFFFC];
	[tilespmem:s12+$0xFFFFFF60] =	vst v27  }
0x11f: {  	[tilespmem:s16+$0xFFFFFF50] =	vst v48;
	v27 =	vld.idx.msk [tilespmem:v45+s8+$0x0], $0xffff  }
0x120: {  	v41 =	vld [tilespmem:s0+$0xFFFFFFE8];
	[tilespmem:s12+$0xFFFFFF70] =	vst v35  }
0x121: {  	v48 =	vld [tilespmem:s0+$0x0];
	[tilespmem:s12+$0xFFFFFF80] =	vst v37  }
0x122: {  	v40 =	vld [tilespmem:s0+$0xFFFFFFEC];
	[tilespmem:s12+$0xFFFFFF90] =	vst v38  }
0x123: {  	v38 =	vperm.xlane v47, v0;
	v35 =	vld.idx.msk [tilespmem:v53+s8+$0x0], $0xffff;
	[tilespmem:s12+$0xFFFFFFA0] =	vst v39  }
0x124: {  	v39 =	vperm.xlane v47, v2;
	v37 =	vld.idx.msk [tilespmem:v55+s8+$0x0], $0xffff;
	[tilespmem:s12+$0xFFFFFFB0] =	vst v42  }
.Ltmp8:
0x125: {  	v53 =	vperm.xlane v47, v3;
	v45 =	vperm.xlane v41, v0;
	v42 =	vshll.u32 v38, $0x3;
	v38 =	vld.idx.msk [tilespmem:v49+s8+$0x0], $0xffff;
	[tilespmem:s12+$0xFFFFFFC0] =	vst v43;
	(pc) =	sbr.rel @p0 .LBB2_11-.Ltmp8, $4  }
0x126: {  	v49 =	vor.u32 v1, v42;
	v42 =	vshll.u32 v39, $0x3;
	v43 =	vperm.xlane v48, v9;
	v39 =	vld.idx.msk [tilespmem:v50+s8+$0x0], $0xffff;
	[tilespmem:s12+$0xFFFFFFD0] =	vst v44  }
0x127: {  	v55 =	vperm.xlane v47, v4;
	v44 =	vshll.u32 v53, $0x3;
	v50 =	vor.u32 v1, v42;
	v42 =	vld.idx.msk [tilespmem:v51+s8+$0x0], $0xffff;
	[tilespmem:s12+$0xFFFFFFE0] =	vst v58  }
0x128: {  	v53 =	vperm.xlane v47, v5;
	v51 =	vor.u32 v1, v44;
	v44 =	vshll.u32 v43, $0x3;
	v43 =	vld.idx.msk [tilespmem:v52+s8+$0x0], $0xffff;
	[tilespmem:s12+$0xFFFFFFF0] =	vst v54;
	s12 =	smov.u32 s13;
	s13 =	smov.u32 s16  }
0x129: {  	s14 =	sadd.s32 $0x20, s14;
	v55 =	vshll.u32 v55, $0x3;
	v54 =	vperm.xlane v47, v6;
	v52 =	vor.u32 v1, v44;
	v44 =	vld.idx.msk [tilespmem:v59+s8+$0x0], $0xffff;
	[tilespmem:s12+$0x20] =	vst v46  }
0x12a: {  	[tilespmem:s12+$0x30] =	vst v26  }
0x12b: {  	[tilespmem:s12+$0x40] =	vst v31  }
0x12c: {  	[tilespmem:s12+$0x50] =	vst v29  }
0x12d: {  	[tilespmem:s12+$0x60] =	vst v30  }
0x12e: {  	v59 =	vperm.xlane v47, v9;
	[tilespmem:s12+$0x70] =	vst v33  }
0x12f: {  	s0 =	simm.s32 $0x0;
	v46 =	vor.u32 v1, v55;
	[tilespmem:s12+$0x80] =	vst v28;
	v34 =	vld.idx.msk [tilespmem:v34+s8+$0x0], $0xffff  }
0x130: {  	v53 =	vshll.u32 v53, $0x3;
	v58 =	vperm.xlane v47, v8;
	[tilespmem:s12+$0x90] =	vst v32;
	v49 =	vld.idx.msk [tilespmem:v49+s0+$0x0], $0xffff;
	v47 =	vshll.u32 v59, $0x3  }
0x131: {  	v53 =	vor.u32 v1, v53;
	v54 =	vshll.u32 v54, $0x3;
	v26 =	vor.u32 v1, v47;
	v47 =	vld.idx.msk [tilespmem:v36+s8+$0x0], $0xffff;
	[tilespmem:s12+$0xFFFFFF60] =	vst v27  }
0x132: {  	v48 =	vperm.xlane v48, v8;
	v50 =	vld.idx.msk [tilespmem:v50+s0+$0x0], $0xffff;
	v54 =	vor.u32 v1, v54;
	v55 =	vshll.u32 v58, $0x3;
	[tilespmem:s12+$0xFFFFFF70] =	vst v35  }
0x133: {  	v51 =	vld.idx.msk [tilespmem:v51+s0+$0x0], $0xffff;
	v55 =	vor.u32 v1, v55;
	[tilespmem:s12+$0xFFFFFF80] =	vst v37  }
0x134: {  	v61 =	vld.idx.msk [tilespmem:v52+s0+$0x0], $0xffff;
	v52 =	vperm.xlane v41, v4;
	v60 =	vshll.u32 v48, $0x3;
	[tilespmem:s12+$0xFFFFFF90] =	vst v38  }
0x135: {  	v48 =	vperm.xlane v41, v3;
	v62 =	vor.u32 v1, v60;
	[tilespmem:s12+$0xFFFFFFA0] =	vst v39;
	v31 =	vld.idx.msk [tilespmem:v46+s0+$0x0], $0xffff  }
0x136: {  	v27 =	vperm.xlane v41, v2;
	v37 =	vshll.u32 v52, $0x3;
	[tilespmem:s12+$0xFFFFFFB0] =	vst v42;
	v29 =	vld.idx.msk [tilespmem:v53+s0+$0x0], $0xffff  }
0x137: {  	v56 =	vperm.xlane v41, v9;
	[tilespmem:s12+$0xFFFFFFC0] =	vst v43;
	v35 =	vshll.u32 v48, $0x3;
	v37 =	vor.u32 v1, v37;
	v30 =	vld.idx.msk [tilespmem:v54+s0+$0x0], $0xffff  }
0x138: {  	v58 =	vperm.xlane v40, v9;
	[tilespmem:s12+$0xFFFFFFD0] =	vst v44;
	v27 =	vshll.u32 v27, $0x3;
	v35 =	vor.u32 v1, v35;
	v63 =	vld.idx.msk [tilespmem:v55+s0+$0x0], $0xffff  }
0x139: {  	v57 =	vperm.xlane v40, v8;
	v59 =	vshll.u32 v56, $0x3;
	[tilespmem:s12+$0xFFFFFFF0] =	vst v34;
	v27 =	vor.u32 v1, v27;
	v26 =	vld.idx.msk [tilespmem:v26+s0+$0x0], $0xffff  }
0x13a: {  	v40 =	vor.u32 v1, v59;
	v32 =	vshll.u32 v58, $0x3;
	v53 =	vperm.xlane v41, v5;
	v28 =	vld.idx.msk [tilespmem:v62+s0+$0x0], $0xffff;
	[tilespmem:s16+$0xA0] =	vst v61  }
0x13b: {  	v32 =	vor.u32 v1, v32;
	[tilespmem:s16+$0x10] =	vst v49;
	v49 =	vshll.u32 v45, $0x3  }
0x13c: {  	v54 =	vperm.xlane v41, v6;
	v38 =	vshll.u32 v53, $0x3;
	[tilespmem:s12+$0xFFFFFFE0] =	vst v47;
	v36 =	vor.u32 v1, v49;
	v37 =	vld.idx.msk [tilespmem:v37+s0+$0x0], $0xffff  }
0x13d: {  	v55 =	vperm.xlane v41, v8;
	v61 =	vshll.u32 v57, $0x3;
	v38 =	vor.u32 v1, v38;
	[tilespmem:s13+$0x20] =	vst v50;
	v35 =	vld.idx.msk [tilespmem:v35+s0+$0x0], $0xffff  }
0x13e: {  	v39 =	vshll.u32 v54, $0x3;
	v34 =	vor.u32 v1, v61;
	[tilespmem:s13+$0x30] =	vst v51;
	v27 =	vld.idx.msk [tilespmem:v27+s0+$0x0], $0xffff  }
0x13f: {  	v42 =	vshll.u32 v55, $0x3;
	v39 =	vor.u32 v1, v39;
	[tilespmem:s13+$0x60] =	vst v30;
	v30 =	vld.idx.msk [tilespmem:v40+s0+$0x0], $0xffff  }
0x140: {  	v60 =	vor.u32 v1, v42;
	[tilespmem:s13+$0x90] =	vst v28;
	v28 =	vld.idx.msk [tilespmem:v32+s0+$0x0], $0xffff  }
0x141: {  	[tilespmem:s13+$0x40] =	vst v31;
	v36 =	vld.idx.msk [tilespmem:v36+s0+$0x0], $0xffff  }
0x142: {  	[tilespmem:s13+$0x50] =	vst v29;
	v38 =	vld.idx.msk [tilespmem:v38+s0+$0x0], $0xffff  }
0x143: {  	[tilespmem:s13+$0x80] =	vst v26;
	v26 =	vld.idx.msk [tilespmem:v34+s0+$0x0], $0xffff  }
0x144: {  	[tilespmem:s13+$0x70] =	vst v63;
	v31 =	vld.idx.msk [tilespmem:v39+s0+$0x0], $0xffff  }
0x145: {  	v29 =	vld.idx.msk [tilespmem:v60+s0+$0x0], $0xffff;
	[tilespmem:s13+$0xFFFFFF70] =	vst v27  }
0x146: {  	[tilespmem:s13+$0xFFFFFF80] =	vst v35  }
0x147: {  	[tilespmem:s13+$0xFFFFFF90] =	vst v37  }
0x148: {  	[tilespmem:s13+$0xFFFFFFD0] =	vst v30  }
0x149: {  	[tilespmem:s13+$0xFFFFFFF0] =	vst v28  }
0x14a: {  	[tilespmem:s13+$0xFFFFFF60] =	vst v36  }
0x14b: {  	[tilespmem:s13+$0xFFFFFFA0] =	vst v38  }
0x14c: {  	[tilespmem:s13+$0xFFFFFFE0] =	vst v26  }
0x14d: {  	[tilespmem:s13+$0xFFFFFFB0] =	vst v31  }
0x14e: {  	s18 =	simm.s32 $0x1C88;
	[tilespmem:s13+$0xFFFFFFC0] =	vst v29  }
0x14f: {  	v27 =	vld [tilespmem:s18+$0x0]  }
0x150: {  	v26 =	vmov s0  }
0x151: {  	v26 =	vmul.u32 $0xB0, v26;
	_ =	sdelay $0x1  }
0x152: {  	v26 =	vbroadcast v26, $0x0  }
0x153: {  	vm2 =	veq.s32 v27, $0x0  }
0x154: {  	v27 =	vadd.s32 v7, v26  }
0x155: {  	v28 =	vadd.s32 v11, v26  }
0x156: {  	v29 =	vadd.s32 v12, v26  }
0x157: {  	v62 =	vadd.s32 v13, v26  }
0x158: {  	p0 =	por $0x1, $0x1;
	v63 =	vadd.s32 v14, v26;
	vm1 =	vmmov vm2  }
.Ltmp9:
0x159: {  	v30 =	vadd.s32 v15, v26;
	[tilespmem:v27+s1+$0x0] =	vst.idx.msk vm2, v10;
	(pc) =	sbr.rel @!p0 .LBB2_14-.Ltmp9, $4  }
0x15a: {  	v31 =	vadd.s32 v16, v26;
	[tilespmem:v28+s1+$0x0] =	vst.idx.msk vm2, v10  }
0x15b: {  	v27 =	vadd.s32 v17, v26;
	[tilespmem:v29+s1+$0x0] =	vst.idx.msk vm2, v10  }
0x15c: {  	v29 =	vadd.s32 v18, v26;
	[tilespmem:v62+s1+$0x0] =	vst.idx.msk vm2, v10  }
0x15d: {  	s8 =	simm.s32 $0x10;
	s0 =	simm.s32 $0x1C98;
	v28 =	vadd.s32 v19, v26;
	[tilespmem:v63+s1+$0x0] =	vst.idx.msk vm2, v10  }
.LBB2_13:
0x15e: {  	v32 =	vld [tilespmem:s0+$0x0];
	p0 =	sne.s32 s8, $0x70;
	[tilespmem:v30+s1+$0x0] =	vst.idx.msk vm1, v10;
	v30 =	vadd.s32 v20, v26  }
0x15f: {  	v33 =	vmov s8;
	[tilespmem:v31+s1+$0x0] =	vst.idx.msk vm1, v10;
	v31 =	vadd.s32 v21, v26  }
0x160: {  	v33 =	vmul.u32 $0xB0, v33;
	[tilespmem:v27+s1+$0x0] =	vst.idx.msk vm1, v10;
	v27 =	vadd.s32 v22, v26  }
0x161: {  	[tilespmem:v29+s1+$0x0] =	vst.idx.msk vm1, v10;
	v29 =	vadd.s32 v23, v26  }
0x162: {  	v33 =	vbroadcast v33, $0x0;
	[tilespmem:v28+s1+$0x0] =	vst.idx.msk vm1, v10;
	v28 =	vadd.s32 v24, v26  }
0x163: {  	vm2 =	veq.s32 v32, $0x0;
	[tilespmem:v30+s1+$0x0] =	vst.idx.msk vm1, v10;
	v30 =	vadd.s32 v25, v26  }
0x164: {  	v32 =	vadd.s32 v7, v33;
	v26 =	vmov v33;
	[tilespmem:v31+s1+$0x0] =	vst.idx.msk vm1, v10  }
0x165: {  	v31 =	vadd.s32 v11, v26;
	[tilespmem:v27+s1+$0x0] =	vst.idx.msk vm1, v10  }
0x166: {  	v27 =	vadd.s32 v12, v26;
	[tilespmem:v29+s1+$0x0] =	vst.idx.msk vm1, v10  }
0x167: {  	v29 =	vadd.s32 v13, v26;
	[tilespmem:v28+s1+$0x0] =	vst.idx.msk vm1, v10  }
0x168: {  	v28 =	vadd.s32 v14, v26;
	[tilespmem:v30+s1+$0x0] =	vst.idx.msk vm1, v10;
	vm1 =	vmmov vm2  }
.Ltmp10:
0x169: {  	v30 =	vadd.s32 v15, v26;
	[tilespmem:v32+s1+$0x0] =	vst.idx.msk vm2, v10;
	(pc) =	sbr.rel @p0 .LBB2_13-.Ltmp10, $4  }
0x16a: {  	[tilespmem:v31+s1+$0x0] =	vst.idx.msk vm2, v10;
	v31 =	vadd.s32 v16, v26  }
0x16b: {  	[tilespmem:v27+s1+$0x0] =	vst.idx.msk vm2, v10;
	v27 =	vadd.s32 v17, v26  }
0x16c: {  	[tilespmem:v29+s1+$0x0] =	vst.idx.msk vm2, v10;
	v29 =	vadd.s32 v18, v26  }
0x16d: {  	s0 =	sadd.s32 $0x10, s0;
	s8 =	sadd.s32 $0x10, s8;
	[tilespmem:v28+s1+$0x0] =	vst.idx.msk vm2, v10;
	v28 =	vadd.s32 v19, v26  }
.LBB2_14:
0x16e: {  	_ =	sdelay $0x4  }
0x16f: {  	[tilespmem:v30+s1+$0x0] =	vst.idx.msk vm1, v10;
	v60 =	vadd.s32 v20, v26  }
0x170: {  	v61 =	vadd.s32 v21, v26;
	[tilespmem:v31+s1+$0x0] =	vst.idx.msk vm1, v10  }
0x171: {  	[tilespmem:v27+s1+$0x0] =	vst.idx.msk vm1, v10;
	v27 =	vadd.s32 v22, v26  }
0x172: {  	v62 =	vadd.s32 v23, v26;
	[tilespmem:v29+s1+$0x0] =	vst.idx.msk vm1, v10  }
0x173: {  	v63 =	vadd.s32 v24, v26;
	[tilespmem:v28+s1+$0x0] =	vst.idx.msk vm1, v10  }
0x174: {  	v26 =	vadd.s32 v25, v26;
	[tilespmem:v60+s1+$0x0] =	vst.idx.msk vm1, v10  }
0x175: {  	p0 =	seq.s32 s10, $0x18;
	[tilespmem:v61+s1+$0x0] =	vst.idx.msk vm1, v10  }
.Ltmp11:
0x176: {  	s0 =	sadd.s32 s11, s6;
	[tilespmem:v27+s1+$0x0] =	vst.idx.msk vm1, v10;
	(pc) =	sbr.rel @p0 .LBB2_16-.Ltmp11, $4  }
0x177: {  	s0 =	smul.u32 $0x16, s0;
	[tilespmem:v62+s1+$0x0] =	vst.idx.msk vm1, v10  }
0x178: {  	[tilespmem:v63+s1+$0x0] =	vst.idx.msk vm1, v10  }
0x179: {  	s0 =	sadd.s32 s2, s0;
	[tilespmem:v26+s1+$0x0] =	vst.idx.msk vm1, v10  }
0x17a: {  	[hbm4b:s0+s3] =	stream.linear.scatter [tilespmem:s1], [sflag:$0x7], $0x5800, $0x38;
	[tilespmem:$0xDD08] =	vst v63  }
0x17b: {  	_ =	swait.ge [sflag:s20], $0xA00  }
0x17c: {  	[sflag:s20] =	ssyncset.done $0x0  }
0x17d: {  	[sflag:s20] =	ssyncadd.s32 $0xFFFFF600  }
0x17e: {  	_ =	swait.ge [sflag:s20], $0x80  }
0x17f: {  	s0 =	sadd.s32 s11, s15;
	[sflag:s20] =	ssyncset.done $0x0  }
0x180: {  	s8 =	smul.u32 $0x14, s0;
	[sflag:s20] =	ssyncadd.s32 $0xFFFFFF80  }
0x181: {  	[tilespmem:s22], [sflag:$0x4] =	stream.indirect.gather [hbm4b:s9+s21], $0x10, s19, s21, $0xb8;
	[tilespmem:$0xDD08] =	vst v63  }
.Ltmp12:
0x182: {  	s8 =	sshrl.u32 s8, $0x3;
	(pc) =	sbr.rel .LBB2_2-.Ltmp12, $4  }
0x183: {  	s0 =	sshrl.u32 s0, $0x3;
	s8 =	sadd.s32 s5, s8  }
0x184: {  	[tilespmem:s23], [sflag:$0x3] =	stream.linear.gather [hbm4b:s8+s3], $0xA00, $0x38;
	[tilespmem:$0xDD08] =	vst v63  }
0x185: {  	s10 =	sadd.s32 $0x1, s10;
	s0 =	sadd.s32 s7, s0  }
0x186: {  	[tilespmem:s24], [sflag:$0x3] =	stream.linear.gather [hbm4b:s0+s3], $0x80, $0x38;
	[tilespmem:$0xDD08] =	vst v63  }
.LBB2_17:
0x187: {  	_ =	sfence.sel $0x180000  }
0x188: {  	[bflag:$0x0] =	sbarrier.arrive $0xFFFF  }
0x189: {  	_ =	strace $0x90000047  }
0x18a: {  	s0 =	stileid.u32;
	[bflag:$0x2] =	sbarrier.arrive $0xFFFF  }
0x18b: {  	p0 =	sne.s32 s0, $0x0;
	s0 =	rddreg [dreg:$0x2]  }
0x18c: {  	s0 =	sadd.s32 @!p0 $0x100000, s0  }
0x18d: {  	[sflag:s0] =	ssyncadd.tile.s32 @!p0 $0x1;
	_ =	shalt  }
.Lfunc_end2:
_tile_overlayer_lowered:
.L_overlay_start_2:
0x18e: {  	(tag) =	ssettag $0x2  }
0x18f: {  	s0 =	rddreg [dreg:$0x0];
	s2 =	stileid.u32  }
0x190: {  	s1 =	rddreg [dreg:$0x1];
	p0 =	sne.s32 s2, $0x0  }
0x191: {  	s3 =	rddreg [dreg:$0x2];
	[bflag:$0x3] =	sbarrier.arrive $0xFFFF;
	s2 =	simm.s32 @!p0 $0x1C08  }
0x192: {  	[timem:s3], [sflag:s2] =	dma.local @!p0 [hbm:s0], s1  }
0x193: {  	s0 =	simm.s32 @!p0 $0x8  }
0x194: {  	_ =	swait.ge @!p0 [sflag:s0], s1  }
0x195: {  	s1 =	ssub.s32 @!p0 $0x0, s1;
	[sflag:s0] =	ssyncset.done @!p0 $0x0  }
0x196: {  	[sflag:s0] =	ssyncadd.s32 @!p0 s1  }
0x197: {  	[bflag:$0x3] =	sbarrier.arrive $0xFFFF  }
0x198: {  	_ =	shalt  }

// kernel: sparse-core-data-format-call.cloned.1.call-start
scs
called_computation_lowered:
.L_overlay_start_0:
0x0: {  	s2 =	sld [smem:$0x3FD9]  }
0x1: {  	s3 =	sld [smem:$0x3FFE];
	_ =	sdelay $0x1  }
0x2: {  	s1 =	srdreg.scid  }
0x3: {  	s0 =	sand.u32 $0x1, s1  }
0x4: {  	s18 =	sshll.u32 s0, $0xA;
	s2 =	sadd.s32 s3, s2  }
0x5: {  	s2 =	sadd.s32 s2, s18  }
0x6: {  	[smem:$0x3FC4] =	sst s2  }
0x7: {  	_ = 	snop  }
0x8: {  	s2 =	sld [smem:$0x3FD0];
	(tm) =	ssettm $0x1  }
0x9: {  	s19 =	sld [smem:$0x3FFB];
	_ =	sdelay $0x3  }
0xa: {  	_ =	strace s19  }
0xb: {  	s3 =	sld [smem:$0x3FFC];
	_ =	sdelay $0x3  }
0xc: {  	_ =	strace s3  }
0xd: {  	s3 =	sld [smem:$0x3FFD];
	_ =	sdelay $0x3  }
0xe: {  	_ =	strace s3  }
0xf: {  	_ =	strace $0x8FFFFFFF  }
0x10: {  	s20 =	sld [smem:$0x3FDB];
	_ =	sdelay $0x1  }
0x11: {  	s4 =	simm.s32 $_scs_section_size  }
0x12: {  	s5 =	simm.s32 $_size__tile_overlayer_lowered;
	s6 =	simm.s32 $_tile_overlayer_lowered  }
0x13: {  	s23 =	simm.s32 $0x1BFF;
	s22 =	sshll.u32 s6, $0x1;
	s3 =	sadd.s32 s4, s20  }
0x14: {  	s7 =	simm.s32 $0x0;
	s21 =	sshll.u32 s5, $0x1;
	s5 =	sadd.s32 s22, s3  }
0x15: {  	[timem:s7], [sflag:s23] =	dma.local [hbm:s5], s21  }
0x16: {  	_ =	swait.ge [sflag:s23], s21  }
0x17: {  	s4 =	ssub.s32 $0x0, s21;
	[sflag:s23] =	ssyncset.done $0x0  }
0x18: {  	[sflag:s23] =	ssyncadd.s32 s4;
	_ =	sdelay $0x1  }
0x19: {  	s24 =	simm.s32 $0x1B8B  }
0x1a: {  	_ =	swait.ge [sflag:s24], $0x1  }
0x1b: {  	[sflag:s24] =	ssyncset.done $0x0  }
0x1c: {  	s26 =	simm.s32 $0x1B8E;
	s25 =	sld [smem:$0x3FFE];
	[sflag:s24] =	ssyncadd.s32 $0xFFFFFFFF  }
0x1d: {  	s27 =	simm.s32 $execute0_lowered;
	[smem:$0x3FD2] =	sst s26  }
0x1e: {  	s5 =	sshll.u32 s27, $0x1;
	_ =	strace $0x80000049;
	[dreg:$0x1] =	wrdreg $0xFFFFFFFF  }
0x1f: {  	s28 =	simm.s32 $_size_execute0_lowered;
	s3 =	sadd.s32 s3, s5;
	[dreg:$0x0] =	wrdreg $0x0  }
0x20: {  	s5 =	sshll.u32 s28, $0x1;
	[dreg:$0x2] =	wrdreg s3  }
0x21: {  	[dreg:$0x3] =	wrdreg s5  }
0x22: {  	[dreg:$0x4] =	wrdreg $0xC0  }
0x23: {  	_ =	task [dreg:s7], $0x5FFFF  }
0x24: {  	[dreg:$0x1] =	wrdreg $0xFFFFFFFF  }
0x25: {  	[dreg:$0x0] =	wrdreg $0x60  }
0x26: {  	[dreg:$0x2] =	wrdreg s25  }
0x27: {  	[dreg:$0x3] =	wrdreg s2  }
0x28: {  	[dreg:$0x4] =	wrdreg $0x9  }
0x29: {  	_ =	task.clear_ibuf [dreg:s7], $0x5FFFF;
	_ =	strace $0x90000049  }
0x2a: {  	s29 =	simm.s32 $0x9;
	_ =	strace $0x8000004B  }
0x2b: {  	_ =	swait.ge [sflag:s29], $0x1  }
0x2c: {  	[sflag:s29] =	ssyncadd.s32 $0xFFFFFFFF  }
0x2d: {  	_ =	strace $0x9000004B  }
0x2e: {  	_ =	sfence  }
0x2f: {  	s30 =	sld [smem:$0x0];
	_ =	sdelay $0x2  }
0x30: {  	s31 =	sshll.u32 s1, $0xD;
	s1 =	sshrl.u32 s1, $0x2  }
0x31: {  	s3 =	sand.u32 $0x4000, s31;
	s1 =	sadd.s32 s1, s30  }
0x32: {  	s0 =	sor.u32 s3, s0;
	s1 =	sshll.u32 s1, $0x11  }
0x33: {  	s0 =	sor.u32 s1, s0  }
0x34: {  	s0 =	sadd.s32 $0x8F2B, s0  }
0x35: {  	[sflag:s0] =	ssyncadd.remote.s32 $0x1  }
0x36: {  	_ =	sfence.sel $0xFFFF  }
0x37: {  	[dreg:$0x0] =	wrdreg $0xFFFFFFFF;
	(pc) =	sbr.abs _section_cstart, $3  }
0x38: {  	[dreg:$0x1] =	wrdreg $0xFFFFFFFF  }
0x39: {  	_ =	task.clear_ibuf [dreg:s7], $0x2FFFF;
	_ =	strace $0x9FFFFFFF  }
0x3a: {  	(tm) =	ssettm $0x7FFFFFFF  }
0x3b: {  	_ =	shalt  }
tec
execute0_lowered:
.L_overlay_start_1:
0x0: {  	(tag) =	ssettag $0x1  }
0x1: {  	s0 =	srdreg.scid;
	s6 =	rddreg [dreg:$0x0]  }
0x2: {  	s3 =	rddreg [dreg:$0x1];
	s1 =	sshll.u32 s0, $0x4  }
0x3: {  	s5 =	simm.s32 $0x1;
	s0 =	stileid.u32;
	s1 =	sand.u32 $0x10, s1  }
0x4: {  	s31 =	simm.s32 $0x2;
	s16 =	simm.s32 $0x0;
	s1 =	sor.u32 s0, s1  }
0x5: {  	s8 =	simm.s32 $0x8000;
	s18 =	simm.s32 $0x0;
	s2 =	sshll.u32 s1, $0x7  }
0x6: {  	s17 =	simm.s32 $0x0;
	s9 =	simm.s32 $0x0;
	s4 =	ssub.s32 $0x1000, s2  }
0x7: {  	s10 =	simm.s32 $0x0;
	s11 =	simm.s32 $0x0;
	s30 =	sand.u32 $0xF80, s4  }
0x8: {  	s12 =	simm.s32 $0x0;
	s13 =	simm.s32 $0x0;
	p0 =	sne.s32 s30, $0x0  }
.Ltmp0:
0x9: {  	s7 =	sshrl.u32 s4, $0xC;
	s5 =	simm.s32 @!p0 $0x0;
	(pc) =	sbr.rel .LBB1_1-.Ltmp0, $4  }
0xa: {  	s15 =	simm.s32 $0x0;
	s1 =	rddreg [dreg:$0x2];
	s5 =	sadd.s32 s5, s7  }
0xb: {  	_ =	strace $0x8000004A;
	s4 =	simm.s32 $0x1;
	s5 =	smul.u32 $0x64, s5  }
0xc: {  	s6 =	sadd.s32 $0x1C00, s6;
	s14 =	smov.u32 s2;
	[sflag:s4] =	ssyncpa.u1 $0x0  }
0xd: {  	[sflag:s31] =	ssyncpa.u1 $0x0;
	p0 =	por $0x0, $0x0;
	s7 =	sor.u32 $0x1, s5  }
.LBB1_4:
0xe: {  	s23 =	sshra.s32 s23, $0x2;
	s30 =	sshll.u32 s9, $0xC  }
0xf: {  	p1 =	sgt.s32 s10, $0x31;
	s24 =	smov.u32 s10;
	s25 =	sshra.s32 s10, $0x1F  }
0x10: {  	s26 =	sshll.u32 s11, $0x3;
	s28 =	smov.u32 s11;
	s29 =	sshra.s32 s11, $0x1F  }
0x11: {  	s22 =	sadd.s32 s23, s22;
	s24 =	simm.s32 @!p1 $0x31;
	s25 =	sand.u32 s25, s10  }
0x12: {  	s23 =	sand.u32 $0xFFFF8000, s30;
	s27 =	sand.u32 $0xFFFFFC00, s26;
	p1 =	sgt.s32 s9, $0x30  }
0x13: {  	s31 =	sand.u32 s29, s11;
	s29 =	sshll.u32 s9, $0x7;
	s30 =	sshra.s32 s9, $0x1F  }
0x14: {  	[tilespmem:s21+$0x2040 ss:$0x81] =	vst.msk $0xffff, v4;
	s24 =	ssub.s32 s24, s25;
	s23 =	sadd.s32 s27, s23;
	s27 =	smov.u32 s9  }
0x15: {  	[tilespmem:s21+$0x2850 ss:$0x81] =	vst.msk $0xffff, v3;
	s29 =	sand.u32 $0x380, s29;
	s25 =	sadd.s32 $0xFFFFFFCF, s24;
	s27 =	simm.s32 @!p1 $0x30  }
0x16: {  	v5 =	vld [tilespmem:s20+$0xFFFFFFD0];
	[tilespmem:s21+$0x3060 ss:$0x81] =	vst.msk $0xffff, v2;
	p1 =	sgt.s32 s11, $0xF80;
	s23 =	sshrl.u32 s23, $0xC;
	s24 =	ssub.s32 $0x32, s24  }
0x17: {  	v58 =	vld [tilespmem:s20+$0xFFFFFFE0];
	[tilespmem:s21+$0x0 ss:$0x81] =	vst.msk $0xffff, v1;
	s28 =	simm.s32 @!p1 $0xF80;
	p1 =	sgt.s32 s25, $0x0;
	s21 =	smulhi.u32 $0x1745D18, s23  }
0x18: {  	v59 =	vld [tilespmem:s20+$0xFFFFFFF0];
	s25 =	ssub.s32 s28, s31;
	s28 =	sand.u32 s30, s9;
	s24 =	simm.s32 @p1 $0x0  }
0x19: {  	v60 =	vld [tilespmem:s20+$0x0];
	s27 =	ssub.s32 s27, s28;
	s31 =	sadd.s32 $0xFFFFF080, s25;
	s25 =	ssub.s32 $0x1000, s25  }
0x1a: {  	v61 =	vld [tilespmem:s20+$0x10];
	[tilespmem:s22+$0x3870 ss:$0x81] =	vst.msk $0xffff, v0;
	s21 =	smul.u32 $0xB0, s21;
	s28 =	sand.u32 $0x7, s11;
	p1 =	sgt.s32 s31, $0x7F  }
0x1b: {  	v62 =	vld [tilespmem:s20+$0x20];
	[tilespmem:s22+$0x810 ss:$0x81] =	vst.msk $0xffff, v5;
	s30 =	sadd.s32 $0xFFFFFFD0, s27;
	s31 =	sand.u32 $0x78, s11;
	s25 =	simm.s32 @p1 $0x0  }
0x1c: {  	v63 =	vld [tilespmem:s20+$0xFFFFFFC0];
	[tilespmem:s22+$0x1020 ss:$0x81] =	vst.msk $0xffff, v58;
	p1 =	sgt.s32 s30, $0x7F;
	s30 =	sand.u32 $0xC00, s26;
	s24 =	smul.u32 s25, s24  }
0x1d: {  	[tilespmem:s22+$0x1830 ss:$0x81] =	vst.msk $0xffff, v59;
	s26 =	ssub.s32 $0xB0, s27;
	s20 =	sor.u32 s31, s30;
	s31 =	smul.u32 $0x16000, s10  }
0x1e: {  	[tilespmem:s22+$0x2040 ss:$0x81] =	vst.msk $0xffff, v60;
	s21 =	ssub.s32 s23, s21;
	s26 =	simm.s32 @p1 $0x0;
	s20 =	sor.u32 s29, s20  }
0x1f: {  	[tilespmem:s22+$0x2850 ss:$0x81] =	vst.msk $0xffff, v61;
	s26 =	smul.u32 s26, s24;
	s20 =	sshrl.u32 s20, $0x3;
	s27 =	sadd.s32 s3, s31  }
0x20: {  	[tilespmem:s22+$0x3060 ss:$0x81] =	vst.msk $0xffff, v62;
	s21 =	sshll.u32 s21, $0x9;
	s29 =	sshll.u32 s28, $0x12;
	s20 =	sadd.s32 s20, s27  }
0x21: {  	[tilespmem:s22+$0x0 ss:$0x81] =	vst.msk $0xffff, v63;
	s31 =	sor.u32 $0x400, s29;
	s30 =	sand.u32 $0x3FFFFFFF, s26;
	s20 =	sadd.s32 s21, s20  }
0x22: {  	[hbm4b:s20+s31] =	stream.strided.scatter [tilespmem:s19], [sflag:$0x2], s30, s8, s31, $0x20;
	[tilespmem:$0x10100] =	vst v63  }
.LBB1_5:
0x23: {  	p1 =	slt.u32 s15, $0x2  }
0x24: {  	p2 =	sgt.s32 @!p1 s18, $0x31  }
0x25: {  	s19 =	smov.u32 s18;
	s20 =	sshra.s32 @!p1 s18, $0x1F;
	p2 =	por !p2, p1  }
0x26: {  	s18 =	sand.u32 @!p1 s20, s18;
	s19 =	simm.s32 @p2 $0x31  }
0x27: {  	p3 =	sgt.s32 @!p1 s16, $0x30;
	s18 =	ssub.s32 @!p1 s19, s18  }
0x28: {  	p4 =	sgt.s32 @!p1 s17, $0xF80;
	s21 =	sshra.s32 @!p1 s17, $0x1F;
	s19 =	sadd.s32 @!p1 $0xFFFFFFCF, s18  }
0x29: {  	s20 =	smov.u32 s16;
	p2 =	sgt.s32 @!p1 s19, $0x0;
	s19 =	sshra.s32 @!p1 s16, $0x1F  }
0x2a: {  	p4 =	por !p4, p1;
	s16 =	sand.u32 @!p1 s19, s16;
	s19 =	smov.u32 s17  }
0x2b: {  	p3 =	por !p3, p1;
	s17 =	sand.u32 @!p1 s21, s17;
	s19 =	simm.s32 @p4 $0xF80  }
0x2c: {  	s20 =	simm.s32 @p3 $0x30;
	s18 =	ssub.s32 @!p1 $0x32, s18;
	s17 =	ssub.s32 @!p1 s19, s17  }
0x2d: {  	p2 =	por !p2, p1;
	s16 =	ssub.s32 @!p1 s20, s16;
	s20 =	sadd.s32 @!p1 $0xFFFFF080, s17  }
0x2e: {  	s18 =	simm.s32 @!p2 $0x0;
	p3 =	sgt.s32 @!p1 s20, $0x7F  }
0x2f: {  	s19 =	sadd.s32 @!p1 $0xFFFFFFD0, s16;
	s17 =	ssub.s32 @!p1 $0x1000, s17;
	p3 =	por !p3, p1  }
0x30: {  	p2 =	sgt.s32 @!p1 s19, $0x7F;
	s19 =	sadd.s32 $0x80, s12;
	s17 =	simm.s32 @!p3 $0x0  }
0x31: {  	p3 =	sgt.s32 s19, $0xAF;
	s17 =	smul.u32 @!p1 s17, s18;
	s18 =	simm.s32 $0x1  }
0x32: {  	s16 =	ssub.s32 @!p1 $0xB0, s16;
	p2 =	por !p2, p1;
	s18 =	simm.s32 @!p3 $0x0  }
0x33: {  	s21 =	smov.u32 s14;
	s16 =	simm.s32 @!p2 $0x0;
	s20 =	sadd.s32 s18, s13  }
0x34: {  	s16 =	smul.u32 @!p1 s16, s17;
	s17 =	sadd.s32 $0x1000, s14;
	p2 =	sgt.s32 s20, $0x31  }
0x35: {  	p0 =	por !p0, !p0;
	s22 =	simm.s32 @!p1 $0x2;
	s21 =	smov.u32 @p2 s17  }
0x36: {  	s19 =	simm.s32 @p3 $0x0;
	s20 =	simm.s32 @p2 $0x0;
	p2 =	sgt.s32 s21, $0xFFF  }
0x37: {  	s18 =	smov.u32 s10;
	s21 =	smov.u32 @p2 s2;
	p2 =	sne.s32 s15, s7  }
.Ltmp1:
0x38: {  	s10 =	smov.u32 s13;
	s16 =	sand.u32 @!p1 $0x3FFFFFFF, s16;
	(pc) =	sbr.rel @!p2 .LBB1_6-.Ltmp1, $4  }
0x39: {  	s17 =	smov.u32 s11;
	s11 =	smov.u32 s14;
	_ =	swait.ge @!p1 [sflag:s22], s16  }
0x3a: {  	s23 =	ssub.s32 @!p1 $0x0, s16;
	s16 =	smov.u32 s9;
	s9 =	smov.u32 s12  }
0x3b: {  	s12 =	smov.u32 s19;
	s13 =	smov.u32 s20;
	[sflag:s22] =	ssyncset.done @!p1 $0x0  }
0x3c: {  	s15 =	sadd.s32 $0x1, s15;
	[sflag:s22] =	ssyncadd.s32 @!p1 s23;
	s14 =	smov.u32 s21  }
.LBB1_1:
0x3d: {  	p1 =	sge.u32 s15, s5  }
0x3e: {  	s19 =	sshll.u32 @!p1 s13, $0x8;
	s20 =	sshll.u32 @!p1 s12, $0x3  }
0x3f: {  	s21 =	sshll.u32 @!p1 s13, $0x7;
	s19 =	sand.u32 @!p1 $0xFFFFF800, s19;
	s20 =	sand.u32 @!p1 $0xFFFFFC00, s20  }
0x40: {  	s19 =	sadd.s32 @!p1 s19, s20;
	s20 =	sand.u32 @!p1 $0x300, s21  }
0x41: {  	s19 =	sor.u32 @!p1 s20, s19  }
0x42: {  	s19 =	sshrl.u32 @!p1 s19, $0x8  }
0x43: {  	s31 =	sadd.s32 $0xFFFFFFFF, s15;
	s20 =	smulhi.u32 @!p1 $0x4924925, s19  }
0x44: {  	s22 =	sxor.u32 @!p1 $0xFFFFFFFF, s15;
	s23 =	sand.u32 @!p1 $0x78, s12;
	s24 =	smul.u32 @!p1 $0x700, s14  }
0x45: {  	s22 =	sshll.u32 @!p1 s22, $0xE;
	s21 =	sand.u32 @!p1 $0x80, s21;
	s20 =	smul.u32 @!p1 $0x38, s20  }
0x46: {  	s22 =	sand.u32 @!p1 $0x4000, s22;
	s21 =	sor.u32 @!p1 s23, s21;
	s23 =	sand.u32 @!p1 $0x7, s12  }
0x47: {  	s19 =	ssub.s32 @!p1 s19, s20;
	s20 =	sshrl.u32 @!p1 s21, $0x3;
	s21 =	sadd.s32 @!p1 s6, s24  }
0x48: {  	s19 =	sshll.u32 @!p1 s19, $0x5;
	s20 =	sadd.s32 @!p1 s20, s21;
	s21 =	sshll.u32 @!p1 s23, $0x12  }
0x49: {  	s19 =	sadd.s32 @!p1 s19, s20;
	s20 =	sor.u32 @!p1 $0x80, s21;
	s21 =	simm.s32 @!p1 $0x3800  }
0x4a: {  	[tilespmem:s22], [sflag:$0x1] =	stream.strided.gather @!p1 [hbm4b:s19+s20], $0x4000, s21, s20, $0x38;
	[tilespmem:$0x10100] =	vst v63  }
0x4b: {  	p1 =	sge.u32 s31, s5  }
.Ltmp2:
0x4c: {  	_ = 	snop;
	(pc) =	sbr.rel @p1 .LBB1_5-.Ltmp2, $1  }
0x4d: {  	_ =	sdelay $0x3  }
0x4e: {  	s19 =	simm.s32 $0x1  }
0x4f: {  	_ =	swait.ge [sflag:s4], $0x4000;
	s19 =	simm.s32 @!p0 $0x0  }
0x50: {  	[sflag:s4] =	ssyncset.done $0x0;
	s20 =	sshll.u32 s19, $0xE  }
0x51: {  	[sflag:s4] =	ssyncadd.s32 $0xFFFFC000;
	s20 =	sor.u32 $0x40, s20  }
0x52: {  	s19 =	smul.u32 $0x10200, s19;
	v0 =	vld [tilespmem:s20+$0x30]  }
0x53: {  	v1 =	vld [tilespmem:s20+$0xFFFFFFD0]  }
0x54: {  	s19 =	sshrl.u32 s19, $0x2;
	v5 =	vld [tilespmem:s20+$0xFFFFFFE0]  }
0x55: {  	v6 =	vld [tilespmem:s20+$0xFFFFFFF0];
	s22 =	sor.u32 $0x8000, s19  }
0x56: {  	s31 =	sand.u32 $0x1, s15;
	v4 =	vld [tilespmem:s20+$0x0];
	s21 =	sadd.s32 $0x0, s22  }
0x57: {  	v3 =	vld [tilespmem:s20+$0x10];
	s19 =	smul.u32 $0x10200, s31;
	[tilespmem:s21+$0x3870 ss:$0x81] =	vst.msk $0xffff, v0  }
0x58: {  	v2 =	vld [tilespmem:s20+$0x20];
	[tilespmem:s21+$0x810 ss:$0x81] =	vst.msk $0xffff, v1  }
0x59: {  	s19 =	sshrl.u32 s19, $0x2;
	v1 =	vld [tilespmem:s20+$0xFFFFFFC0];
	[tilespmem:s21+$0x1020 ss:$0x81] =	vst.msk $0xffff, v5;
	s20 =	sadd.s32 $0x80, s20  }
0x5a: {  	s23 =	simm.s32 $0x4;
	s24 =	simm.s32 $0x8;
	s19 =	sor.u32 $0x8000, s19;
	[tilespmem:s21+$0x1830 ss:$0x81] =	vst.msk $0xffff, v6;
	v0 =	vld [tilespmem:s20+$0x30]  }
.LBB1_3:
0x5b: {  	p1 =	sne.s32 s24, $0x1FC;
	v5 =	vld [tilespmem:s20+$0xFFFFFFD0];
	[tilespmem:s21+$0x2040 ss:$0x81] =	vst.msk $0xffff, v4  }
0x5c: {  	v6 =	vld [tilespmem:s20+$0xFFFFFFE0];
	[tilespmem:s21+$0x2850 ss:$0x81] =	vst.msk $0xffff, v3  }
0x5d: {  	s25 =	sshra.s32 s23, $0x2;
	s23 =	smov.u32 s24;
	v7 =	vld [tilespmem:s20+$0xFFFFFFF0];
	[tilespmem:s21+$0x3060 ss:$0x81] =	vst.msk $0xffff, v2  }
.Ltmp3:
0x5e: {  	v4 =	vld [tilespmem:s20+$0x0];
	[tilespmem:s21+$0x0 ss:$0x81] =	vst.msk $0xffff, v1;
	s21 =	sadd.s32 s25, s22;
	(pc) =	sbr.rel @p1 .LBB1_3-.Ltmp3, $4  }
0x5f: {  	v3 =	vld [tilespmem:s20+$0x10];
	[tilespmem:s21+$0x3870 ss:$0x81] =	vst.msk $0xffff, v0  }
0x60: {  	[tilespmem:s21+$0x810 ss:$0x81] =	vst.msk $0xffff, v5;
	v2 =	vld [tilespmem:s20+$0x20]  }
0x61: {  	v1 =	vld [tilespmem:s20+$0xFFFFFFC0];
	[tilespmem:s21+$0x1020 ss:$0x81] =	vst.msk $0xffff, v6;
	s20 =	sadd.s32 $0x80, s20  }
0x62: {  	s24 =	sadd.s32 $0x4, s24;
	v0 =	vld [tilespmem:s20+$0x30];
	[tilespmem:s21+$0x1830 ss:$0x81] =	vst.msk $0xffff, v7  }
.Ltmp4:
0x63: {  	_ = 	snop;
	(pc) =	sbr.rel .LBB1_4-.Ltmp4, $1  }
0x64: {  	_ =	sdelay $0x3  }
.LBB1_6:
0x65: {  	_ =	sfence.sel $0x180000  }
0x66: {  	s2 =	simm.s32 $0x1;
	[bflag:$0x0] =	sbarrier.arrive $0xFFFF  }
0x67: {  	s31 =	simm.s32 $0x2;
	[sflag:s2] =	ssyncpa.u1 $0x1  }
0x68: {  	[sflag:s31] =	ssyncpa.u1 $0x1  }
0x69: {  	p0 =	sne.s32 s0, $0x0;
	_ =	strace $0x9000004A  }
0x6a: {  	s0 =	sadd.s32 @!p0 $0x100000, s1;
	[bflag:$0x2] =	sbarrier.arrive $0xFFFF  }
0x6b: {  	[sflag:s0] =	ssyncadd.tile.s32 @!p0 $0x1;
	_ =	shalt  }
.Lfunc_end1:
_tile_overlayer_lowered:
.L_overlay_start_2:
0x6c: {  	(tag) =	ssettag $0x2  }
0x6d: {  	s0 =	rddreg [dreg:$0x0];
	s2 =	stileid.u32  }
0x6e: {  	s1 =	rddreg [dreg:$0x1];
	p0 =	sne.s32 s2, $0x0  }
0x6f: {  	s3 =	rddreg [dreg:$0x2];
	[bflag:$0x3] =	sbarrier.arrive $0xFFFF;
	s2 =	simm.s32 @!p0 $0x1C01  }
0x70: {  	[timem:s3], [sflag:s2] =	dma.local @!p0 [hbm:s0], s1  }
0x71: {  	s0 =	simm.s32 @!p0 $0x1  }
0x72: {  	_ =	swait.ge @!p0 [sflag:s0], s1  }
0x73: {  	s1 =	ssub.s32 @!p0 $0x0, s1;
	[sflag:s0] =	ssyncset.done @!p0 $0x0  }
0x74: {  	[sflag:s0] =	ssyncadd.s32 @!p0 s1  }
0x75: {  	[bflag:$0x3] =	sbarrier.arrive $0xFFFF  }
0x76: {  	_ =	shalt  }

</sc_bundles>
